<compile_context>
chip_gen: v7x
topology: tpu7x:2x2x1
jax: 0.10.2.dev20260603
libtpu: 0.0.44.dev20260713+nightly
codegen_flags: <defaults>
</compile_context>

<pallas_src>
import functools

import jax
import jax.numpy as jnp
from jax import lax
from jax.experimental import pallas as pl
from jax.experimental.pallas import tpu as pltpu
from jax.experimental.pallas import tpu_sc as plsc

RANK = 16
LANES = 16
NUM_WORKERS = 32
CHUNK_A = 992
CHUNK_B = 1600

_COMPILER_PARAMS = pltpu.CompilerParams(
    needs_layout_passes=False, use_tc_tiling_on_sc=False)


def _worker_range(wid, num_chunks):
    base_n = num_chunks // NUM_WORKERS
    rem = num_chunks % NUM_WORKERS
    extra = jnp.minimum(wid, rem)
    lo = wid * base_n + extra
    n = base_n + jnp.where(wid < rem, 1, 0)
    return lo, n


def _outer_iters(num_chunks):
    max_n = num_chunks // NUM_WORKERS + (1 if num_chunks % NUM_WORKERS else 0)
    return (max_n + 1) // 2


def _mul_kernel(nnz, ndim):
    chunk = CHUNK_A
    num_chunks = -(-nnz // chunk)

    mesh = plsc.VectorSubcoreMesh(core_axis_name="c", subcore_axis_name="s")

    @functools.partial(
        pl.kernel,
        mesh=mesh,
        compiler_params=_COMPILER_PARAMS,
        out_type=jax.ShapeDtypeStruct((nnz, RANK), jnp.float32),
        scratch_types=[
            pltpu.VMEM((chunk,), jnp.int32),
            pltpu.VMEM((chunk,), jnp.int32),
            pltpu.VMEM((chunk,), jnp.int32),
            pltpu.VMEM((chunk,), jnp.int32),
            pltpu.VMEM((chunk, RANK), jnp.float32),
            pltpu.VMEM((chunk, RANK), jnp.float32),
            pltpu.VMEM((chunk, RANK), jnp.float32),
            pltpu.VMEM((chunk, RANK), jnp.float32),
            pltpu.VMEM((chunk, RANK), jnp.float32),
            pltpu.VMEM((chunk, RANK), jnp.float32),
            pltpu.SemaphoreType.DMA,
            pltpu.SemaphoreType.DMA,
            pltpu.SemaphoreType.DMA,
            pltpu.SemaphoreType.DMA,
            pltpu.SemaphoreType.DMA,
            pltpu.SemaphoreType.DMA,
        ],
    )
    def k(i0_hbm, i1_hbm, f0_hbm, f1_hbm, p_hbm,
          i0a, i1a, i0b, i1b,
          r0a, r1a, r0b, r1b, pa, pb,
          sem_ia, sem_ib, sem_ga, sem_gb, sem_oa, sem_ob):
        wid = lax.axis_index("s") * 2 + lax.axis_index("c")
        lo, n = _worker_range(wid, num_chunks)
        idxs = ((i0a, i1a), (i0b, i1b))
        rows = ((r0a, r1a), (r0b, r1b))
        outs = (pa, pb)
        sems_i = (sem_ia, sem_ib)
        sems_g = (sem_ga, sem_gb)
        sems_o = (sem_oa, sem_ob)
        fs = (f0_hbm, f1_hbm)
        is_hbm = (i0_hbm, i1_hbm)

        def issue_idx(chunk_id, b):
            base = jnp.minimum(chunk_id * chunk, nnz - chunk)
            for m in range(2):
                pltpu.async_copy(is_hbm[m].at[pl.ds(base, chunk)],
                                 idxs[b][m], sems_i[b])

        def wait_idx(b):
            for m in range(2):
                pltpu.make_async_copy(is_hbm[m].at[pl.ds(0, chunk)],
                                      idxs[b][m], sems_i[b]).wait()

        def issue_gathers(b):
            for m in range(2):
                pltpu.async_copy(fs[m].at[idxs[b][m]], rows[b][m], sems_g[b])

        def wait_gathers(b):
            for m in range(2):
                pltpu.make_async_copy(fs[m].at[idxs[b][m]], rows[b][m],
                                      sems_g[b]).wait()

        def compute(b):
            r0, r1 = rows[b]
            p_v = outs[b]

            @plsc.parallel_loop(0, chunk)
            def row_body(c):
                p_v[c, :] = r0[c, :] * r1[c, :]

        def issue_out(kk, b):
            base = jnp.minimum((lo + kk) * chunk, nnz - chunk)
            pltpu.async_copy(outs[b], p_hbm.at[pl.ds(base, chunk), :],
                             sems_o[b])

        def wait_out(b):
            pltpu.make_async_copy(outs[b], p_hbm.at[pl.ds(0, chunk), :],
                                  sems_o[b]).wait()

        issue_idx(lo, 0)
        wait_idx(0)
        issue_gathers(0)
        issue_idx(lo + 1, 1)

        def body(kk, b):
            wait_gathers(b)

            @pl.when(kk + 1 < n)
            def _():
                wait_idx(1 - b)
                issue_gathers(1 - b)

            @pl.when(kk + 2 < n)
            def _():
                issue_idx(lo + kk + 2, b)

            @pl.when(kk >= 2)
            def _():
                wait_out(b)

            compute(b)
            issue_out(kk, b)

        def outer(i, _):
            kk = i * 2

            @pl.when(kk < n)
            def _():
                body(kk, 0)

            @pl.when(kk + 1 < n)
            def _():
                body(kk + 1, 1)

            return 0

        lax.fori_loop(0, _outer_iters(num_chunks), outer, 0)
        wait_out(0)
        wait_out(1)

    return k


def _reduce_kernel(nnz, ndim):
    chunk = CHUNK_B
    num_chunks = -(-nnz // chunk)
    groups = chunk // LANES

    mesh = plsc.VectorSubcoreMesh(core_axis_name="c", subcore_axis_name="s")

    @functools.partial(
        pl.kernel,
        mesh=mesh,
        compiler_params=_COMPILER_PARAMS,
        out_type=jax.ShapeDtypeStruct((nnz,), jnp.float32),
        scratch_types=[
            pltpu.VMEM((chunk,), jnp.int32),
            pltpu.VMEM((chunk,), jnp.int32),
            pltpu.VMEM((chunk, RANK), jnp.float32),
            pltpu.VMEM((chunk, RANK), jnp.float32),
            pltpu.VMEM((chunk, RANK), jnp.float32),
            pltpu.VMEM((chunk, RANK), jnp.float32),
            pltpu.VMEM((chunk,), jnp.float32),
            pltpu.VMEM((chunk,), jnp.float32),
            pltpu.SemaphoreType.DMA,
            pltpu.SemaphoreType.DMA,
            pltpu.SemaphoreType.DMA,
            pltpu.SemaphoreType.DMA,
            pltpu.SemaphoreType.DMA,
            pltpu.SemaphoreType.DMA,
        ],
    )
    def k(i2_hbm, f2_hbm, p_hbm, out_hbm,
          i2a, i2b, r2a, r2b, pva, pvb, out_a, out_b,
          sem_ia, sem_ib, sem_ga, sem_gb, sem_oa, sem_ob):
        wid = lax.axis_index("s") * 2 + lax.axis_index("c")
        lo, n = _worker_range(wid, num_chunks)
        lane = lax.iota(jnp.int32, LANES)
        idxs = (i2a, i2b)
        rows = (r2a, r2b)
        pvs = (pva, pvb)
        outs = (out_a, out_b)
        sems_i = (sem_ia, sem_ib)
        sems_g = (sem_ga, sem_gb)
        sems_o = (sem_oa, sem_ob)

        def issue_idx(chunk_id, b):
            base = jnp.minimum(chunk_id * chunk, nnz - chunk)
            pltpu.async_copy(i2_hbm.at[pl.ds(base, chunk)], idxs[b],
                             sems_i[b])

        def wait_idx(b):
            pltpu.make_async_copy(i2_hbm.at[pl.ds(0, chunk)], idxs[b],
                                  sems_i[b]).wait()

        def issue_gathers(chunk_id, b):
            base = jnp.minimum(chunk_id * chunk, nnz - chunk)
            pltpu.async_copy(f2_hbm.at[idxs[b]], rows[b], sems_g[b])
            pltpu.async_copy(p_hbm.at[pl.ds(base, chunk), :], pvs[b],
                             sems_g[b])

        def wait_gathers(b):
            pltpu.make_async_copy(f2_hbm.at[idxs[b]], rows[b],
                                  sems_g[b]).wait()
            pltpu.make_async_copy(p_hbm.at[pl.ds(0, chunk), :], pvs[b],
                                  sems_g[b]).wait()

        def compute(b):
            r2, p_v, out_v = rows[b], pvs[b], outs[b]

            @plsc.parallel_loop(0, groups)
            def group_body(g):
                off = g * LANES
                row_ids = off + lane
                acc = jnp.zeros((LANES,), jnp.float32)
                for r in range(RANK):
                    col = jnp.full((LANES,), r, jnp.int32)
                    vp = plsc.load_gather(p_v, [row_ids, col])
                    v2 = plsc.load_gather(r2, [row_ids, col])
                    acc = acc + vp * v2
                out_v[pl.ds(off, LANES)] = acc

        def issue_out(kk, b):
            base = jnp.minimum((lo + kk) * chunk, nnz - chunk)
            pltpu.async_copy(outs[b], out_hbm.at[pl.ds(base, chunk)],
                             sems_o[b])

        def wait_out(b):
            pltpu.make_async_copy(outs[b], out_hbm.at[pl.ds(0, chunk)],
                                  sems_o[b]).wait()

        issue_idx(lo, 0)
        wait_idx(0)
        issue_gathers(lo, 0)
        issue_idx(lo + 1, 1)

        def body(kk, b):
            wait_gathers(b)

            @pl.when(kk + 1 < n)
            def _():
                wait_idx(1 - b)
                issue_gathers(lo + kk + 1, 1 - b)

            @pl.when(kk + 2 < n)
            def _():
                issue_idx(lo + kk + 2, b)

            @pl.when(kk >= 2)
            def _():
                wait_out(b)

            compute(b)
            issue_out(kk, b)

        def outer(i, _):
            kk = i * 2

            @pl.when(kk < n)
            def _():
                body(kk, 0)

            @pl.when(kk + 1 < n)
            def _():
                body(kk + 1, 1)

            return 0

        lax.fori_loop(0, _outer_iters(num_chunks), outer, 0)
        wait_out(0)
        wait_out(1)

    return k


def kernel(indices_list, f0, f1, f2):
    nnz = indices_list.shape[1]
    ndim = f0.shape[0]
    idx = indices_list.astype(jnp.int32)
    p = _mul_kernel(nnz, ndim)(idx[0], idx[1], f0, f1)
    return _reduce_kernel(nnz, ndim)(idx[2], f2, p)

# --- scband reference (transcript-rebuilt; emitter-appended) ---
"""Pipeline reference for scband-tatd-38757784879238 (READ-ONLY COPY).

The authoritative reference and input builder live on the scoring server;
editing this copy changes nothing except your own understanding.
"""

import jax, jax.numpy as jnp
import numpy as np

NNZ = 2000000
NDIM = 1000000
RANK = 16
NMODE = 3

def setup_inputs(seed: int = 0) -> dict:
    key = jax.random.key(seed)
    k_idx, k0, k1, k2 = jax.random.split(key, 4)
    indices_list = jax.random.randint(k_idx, (NMODE, NNZ), 0, NDIM, dtype=jnp.int64) if jax.config.jax_enable_x64 else jax.random.randint(k_idx, (NMODE, NNZ), 0, NDIM, dtype=jnp.int32)
    # xavier-normal-like init for the factor matrices (learned params)
    std = float(np.sqrt(2.0 / (NDIM + RANK)))
    f0 = jax.random.normal(k0, (NDIM, RANK), dtype=jnp.float32) * std
    f1 = jax.random.normal(k1, (NDIM, RANK), dtype=jnp.float32) * std
    f2 = jax.random.normal(k2, (NDIM, RANK), dtype=jnp.float32) * std
    return {"indices_list": indices_list, "f0": f0, "f1": f1, "f2": f2}

def reference(indices_list, f0, f1, f2):
    # Khatri-Rao product evaluated only at the nonzero indices:
    # nonzeros[n, r] = prod_m factors[m][indices_list[m, n], r]; output = sum_r nonzeros[n, r]
    factors = [f0, f1, f2]
    nnz = indices_list.shape[1]
    rank = f0.shape[1]
    nonzeros = jnp.ones((nnz, rank), dtype=f0.dtype)
    for m in range(len(factors)):
        nonzeros = nonzeros * jnp.take(factors[m], indices_list[m], axis=0)
    return jnp.sum(nonzeros, axis=1)

if __name__ == "__main__":
    import jax
    _d = setup_inputs()
    print(jax.jit(kernel)(*tuple(_d.values())))

</pallas_src>

<mosaic_0001>
#map = affine_map<(d0, d1) -> (0)>
#map1 = affine_map<(d0, d1) -> (0, 0)>
module attributes {stable_mosaic.version = 14 : i64} {
  func.func @k(%arg0: i32, %arg1: i32, %arg2: memref<2000000xi32, #tpu.memory_space<hbm>>, %arg3: memref<1000000x16xf32, #tpu.memory_space<hbm>>, %arg4: memref<2000000x16xf32, #tpu.memory_space<hbm>>, %arg5: memref<2000000xf32, #tpu.memory_space<hbm>>, %arg6: memref<1600xi32, #tpu.memory_space<vmem>>, %arg7: memref<1600xi32, #tpu.memory_space<vmem>>, %arg8: memref<1600x16xf32, #tpu.memory_space<vmem>>, %arg9: memref<1600x16xf32, #tpu.memory_space<vmem>>, %arg10: memref<1600x16xf32, #tpu.memory_space<vmem>>, %arg11: memref<1600x16xf32, #tpu.memory_space<vmem>>, %arg12: memref<1600xf32, #tpu.memory_space<vmem>>, %arg13: memref<1600xf32, #tpu.memory_space<vmem>>, %arg14: memref<!tpu.dma_semaphore, #tpu.memory_space<semaphore_mem>>, %arg15: memref<!tpu.dma_semaphore, #tpu.memory_space<semaphore_mem>>, %arg16: memref<!tpu.dma_semaphore, #tpu.memory_space<semaphore_mem>>, %arg17: memref<!tpu.dma_semaphore, #tpu.memory_space<semaphore_mem>>, %arg18: memref<!tpu.dma_semaphore, #tpu.memory_space<semaphore_mem>>, %arg19: memref<!tpu.dma_semaphore, #tpu.memory_space<semaphore_mem>>) attributes {dimension_semantics = [#tpu.dimension_semantics<core_parallel>, #tpu.dimension_semantics<subcore_parallel>], iteration_bounds = array<i64: 2, 16>, scalar_prefetch = 0 : i64, scratch_operands = 14 : i64, tpu.core_type = #tpu.core_type<sc_vector_subcore>, window_params = [{transform_indices = #map}, {transform_indices = #map1}, {transform_indices = #map1}, {transform_indices = #map}]} {
    %mul3A = arith.constant 2 : i32
    %mul3A_0 = arith.muli %arg1, %mul3A : i32
    %add3A = arith.addi %mul3A_0, %arg0 : i32
    %min3A = arith.constant 2 : i32
    %min3A_1 = arith.minsi %add3A, %min3A : i32
    %mul3A_2 = arith.constant 39 : i32
    %mul3A_3 = arith.muli %add3A, %mul3A_2 : i32
    %add3A_4 = arith.addi %mul3A_3, %min3A_1 : i32
    %lt3A = arith.constant 2 : i32
    %lt3A_5 = arith.cmpi slt, %add3A, %lt3A : i32
    %jit3A = arith.constant 1 : i32
    %jit3A_6 = arith.constant 0 : i32
    %select_n3A = arith.select %lt3A_5, %jit3A, %jit3A_6 : i32
    %add3A_7 = arith.constant 39 : i32
    %add3A_8 = arith.addi %add3A_7, %select_n3A : i32
    %iota3A = tpu.iota {dimensions = array<i32: 0>} : vector<16xi32>
    %mul3A_9 = arith.constant 1600 : i32
    %mul3A_10 = arith.muli %add3A_4, %mul3A_9 : i32
    %min3A_11 = arith.constant 1998400 : i32
    %min3A_12 = arith.minsi %mul3A_10, %min3A_11 : i32
    %dma_start3A = tpu.memref_slice %arg2[%min3A_12] : memref<2000000xi32, #tpu.memory_space<hbm>> -> memref<1600xi32, #tpu.memory_space<hbm>>
    %dma_start3A_13 = tpu.memref_slice %arg2[%min3A_12] : memref<2000000xi32, #tpu.memory_space<hbm>> -> memref<1600xi32, #tpu.memory_space<hbm>>
    tpu.enqueue_dma source(%dma_start3A_13 : memref<1600xi32, #tpu.memory_space<hbm>>) target(%arg6 : memref<1600xi32, #tpu.memory_space<vmem>>) target_semaphore(%arg14 : memref<!tpu.dma_semaphore, #tpu.memory_space<semaphore_mem>>)
    %dma_wait3A = arith.constant 0 : i32
    %dma_wait3A_14 = tpu.memref_slice %arg2[%dma_wait3A] : memref<2000000xi32, #tpu.memory_space<hbm>> -> memref<1600xi32, #tpu.memory_space<hbm>>
    %dma_wait3A_15 = arith.constant 0 : i32
    %dma_wait3A_16 = tpu.memref_slice %arg2[%dma_wait3A_15] : memref<2000000xi32, #tpu.memory_space<hbm>> -> memref<1600xi32, #tpu.memory_space<hbm>>
    tpu.wait_dma2 semaphore(%arg14 : memref<!tpu.dma_semaphore, #tpu.memory_space<semaphore_mem>>) src(%dma_wait3A_16 : memref<1600xi32, #tpu.memory_space<hbm>>) dst(%arg6 : memref<1600xi32, #tpu.memory_space<vmem>>)
    %mul3A_17 = arith.constant 1600 : i32
    %mul3A_18 = arith.muli %add3A_4, %mul3A_17 : i32
    %min3A_19 = arith.constant 1998400 : i32
    %min3A_20 = arith.minsi %mul3A_18, %min3A_19 : i32
    %dma_start3A_21 = arith.constant 0 : i32
    %dma_start3A_22 = arith.constant 0 : i32
    %dma_start3A_23 = tpu.memref_slice %arg3[%dma_start3A_21, %dma_start3A_22] : memref<1000000x16xf32, #tpu.memory_space<hbm>> -> memref<1000000x16xf32, #tpu.memory_space<hbm>>
    tpu.enqueue_indirect_dma source(%dma_start3A_23 : memref<1000000x16xf32, #tpu.memory_space<hbm>>) target(%arg8 : memref<1600x16xf32, #tpu.memory_space<vmem>>) offsets(%arg6 : memref<1600xi32, #tpu.memory_space<vmem>>) semaphore(%arg16 : memref<!tpu.dma_semaphore, #tpu.memory_space<semaphore_mem>>)
    %dma_start3A_24 = arith.constant 0 : i32
    %dma_start3A_25 = tpu.memref_slice %arg4[%min3A_20, %dma_start3A_24] : memref<2000000x16xf32, #tpu.memory_space<hbm>> -> memref<1600x16xf32, #tpu.memory_space<hbm>>
    %dma_start3A_26 = arith.constant 0 : i32
    %dma_start3A_27 = tpu.memref_slice %arg4[%min3A_20, %dma_start3A_26] : memref<2000000x16xf32, #tpu.memory_space<hbm>> -> memref<1600x16xf32, #tpu.memory_space<hbm>>
    tpu.enqueue_dma source(%dma_start3A_27 : memref<1600x16xf32, #tpu.memory_space<hbm>>) target(%arg10 : memref<1600x16xf32, #tpu.memory_space<vmem>>) target_semaphore(%arg16 : memref<!tpu.dma_semaphore, #tpu.memory_space<semaphore_mem>>)
    %add3A_28 = arith.constant 1 : i32
    %add3A_29 = arith.addi %add3A_4, %add3A_28 : i32
    %mul3A_30 = arith.constant 1600 : i32
    %mul3A_31 = arith.muli %add3A_29, %mul3A_30 : i32
    %min3A_32 = arith.constant 1998400 : i32
    %min3A_33 = arith.minsi %mul3A_31, %min3A_32 : i32
    %dma_start3A_34 = tpu.memref_slice %arg2[%min3A_33] : memref<2000000xi32, #tpu.memory_space<hbm>> -> memref<1600xi32, #tpu.memory_space<hbm>>
    %dma_start3A_35 = tpu.memref_slice %arg2[%min3A_33] : memref<2000000xi32, #tpu.memory_space<hbm>> -> memref<1600xi32, #tpu.memory_space<hbm>>
    tpu.enqueue_dma source(%dma_start3A_35 : memref<1600xi32, #tpu.memory_space<hbm>>) target(%arg7 : memref<1600xi32, #tpu.memory_space<vmem>>) target_semaphore(%arg15 : memref<!tpu.dma_semaphore, #tpu.memory_space<semaphore_mem>>)
    %scan3A = arith.constant 0 : i32
    %scan3A_36 = arith.constant 0 : i32
    %scan3A_37 = arith.constant 20 : i32
    %scan3A_38 = arith.addi %scan3A_36, %scan3A_37 : i32
    %scan3A_39 = arith.constant 1 : i32
    %scan3A_40 = scf.for %scan3A_50 = %scan3A_36 to %scan3A_38 step %scan3A_39 iter_args(%scan3A_51 = %scan3A) -> (i32)  : i32 {
      %mul3A_52 = arith.constant 2 : i32
      %mul3A_53 = arith.muli %scan3A_50, %mul3A_52 : i32
      %lt3A_54 = arith.cmpi slt, %mul3A_53, %add3A_8 : i32
      %convert_element_type3A = arith.extui %lt3A_54 : i1 to i32
      %cond3A = arith.constant 0 : i32
      %cond3A_55 = arith.cmpi ne, %convert_element_type3A, %cond3A : i32
      scf.if %cond3A_55 {
        %dma_wait3A_63 = arith.constant 0 : i32
        %dma_wait3A_64 = arith.constant 0 : i32
        %dma_wait3A_65 = tpu.memref_slice %arg3[%dma_wait3A_63, %dma_wait3A_64] : memref<1000000x16xf32, #tpu.memory_space<hbm>> -> memref<1000000x16xf32, #tpu.memory_space<hbm>>
        tpu.wait_indirect_dma semaphore(%arg16 : memref<!tpu.dma_semaphore, #tpu.memory_space<semaphore_mem>>) src(%dma_wait3A_65 : memref<1000000x16xf32, #tpu.memory_space<hbm>>) dst(%arg8 : memref<1600x16xf32, #tpu.memory_space<vmem>>)
        %dma_wait3A_66 = arith.constant 0 : i32
        %dma_wait3A_67 = arith.constant 0 : i32
        %dma_wait3A_68 = tpu.memref_slice %arg4[%dma_wait3A_66, %dma_wait3A_67] : memref<2000000x16xf32, #tpu.memory_space<hbm>> -> memref<1600x16xf32, #tpu.memory_space<hbm>>
        %dma_wait3A_69 = arith.constant 0 : i32
        %dma_wait3A_70 = arith.constant 0 : i32
        %dma_wait3A_71 = tpu.memref_slice %arg4[%dma_wait3A_69, %dma_wait3A_70] : memref<2000000x16xf32, #tpu.memory_space<hbm>> -> memref<1600x16xf32, #tpu.memory_space<hbm>>
        tpu.wait_dma2 semaphore(%arg16 : memref<!tpu.dma_semaphore, #tpu.memory_space<semaphore_mem>>) src(%dma_wait3A_71 : memref<1600x16xf32, #tpu.memory_space<hbm>>) dst(%arg10 : memref<1600x16xf32, #tpu.memory_space<vmem>>)
        %add3A_72 = arith.constant 1 : i32
        %add3A_73 = arith.addi %mul3A_53, %add3A_72 : i32
        %lt3A_74 = arith.cmpi slt, %add3A_73, %add3A_8 : i32
        %convert_element_type3A_75 = arith.extui %lt3A_74 : i1 to i32
        %cond3A_76 = arith.constant 0 : i32
        %cond3A_77 = arith.cmpi ne, %convert_element_type3A_75, %cond3A_76 : i32
        scf.if %cond3A_77 {
          %dma_wait3A_97 = arith.constant 0 : i32
          %dma_wait3A_98 = tpu.memref_slice %arg2[%dma_wait3A_97] : memref<2000000xi32, #tpu.memory_space<hbm>> -> memref<1600xi32, #tpu.memory_space<hbm>>
          %dma_wait3A_99 = arith.constant 0 : i32
          %dma_wait3A_100 = tpu.memref_slice %arg2[%dma_wait3A_99] : memref<2000000xi32, #tpu.memory_space<hbm>> -> memref<1600xi32, #tpu.memory_space<hbm>>
          tpu.wait_dma2 semaphore(%arg15 : memref<!tpu.dma_semaphore, #tpu.memory_space<semaphore_mem>>) src(%dma_wait3A_100 : memref<1600xi32, #tpu.memory_space<hbm>>) dst(%arg7 : memref<1600xi32, #tpu.memory_space<vmem>>)
          %add3A_101 = arith.addi %add3A_4, %mul3A_53 : i32
          %add3A_102 = arith.constant 1 : i32
          %add3A_103 = arith.addi %add3A_101, %add3A_102 : i32
          %mul3A_104 = arith.constant 1600 : i32
          %mul3A_105 = arith.muli %add3A_103, %mul3A_104 : i32
          %min3A_106 = arith.constant 1998400 : i32
          %min3A_107 = arith.minsi %mul3A_105, %min3A_106 : i32
          %dma_start3A_108 = arith.constant 0 : i32
          %dma_start3A_109 = arith.constant 0 : i32
          %dma_start3A_110 = tpu.memref_slice %arg3[%dma_start3A_108, %dma_start3A_109] : memref<1000000x16xf32, #tpu.memory_space<hbm>> -> memref<1000000x16xf32, #tpu.memory_space<hbm>>
          tpu.enqueue_indirect_dma source(%dma_start3A_110 : memref<1000000x16xf32, #tpu.memory_space<hbm>>) target(%arg9 : memref<1600x16xf32, #tpu.memory_space<vmem>>) offsets(%arg7 : memref<1600xi32, #tpu.memory_space<vmem>>) semaphore(%arg17 : memref<!tpu.dma_semaphore, #tpu.memory_space<semaphore_mem>>)
          %dma_start3A_111 = arith.constant 0 : i32
          %dma_start3A_112 = tpu.memref_slice %arg4[%min3A_107, %dma_start3A_111] : memref<2000000x16xf32, #tpu.memory_space<hbm>> -> memref<1600x16xf32, #tpu.memory_space<hbm>>
          %dma_start3A_113 = arith.constant 0 : i32
          %dma_start3A_114 = tpu.memref_slice %arg4[%min3A_107, %dma_start3A_113] : memref<2000000x16xf32, #tpu.memory_space<hbm>> -> memref<1600x16xf32, #tpu.memory_space<hbm>>
          tpu.enqueue_dma source(%dma_start3A_114 : memref<1600x16xf32, #tpu.memory_space<hbm>>) target(%arg11 : memref<1600x16xf32, #tpu.memory_space<vmem>>) target_semaphore(%arg17 : memref<!tpu.dma_semaphore, #tpu.memory_space<semaphore_mem>>)
        } else {
        }
        %add3A_78 = arith.constant 2 : i32
        %add3A_79 = arith.addi %mul3A_53, %add3A_78 : i32
        %lt3A_80 = arith.cmpi slt, %add3A_79, %add3A_8 : i32
        %convert_element_type3A_81 = arith.extui %lt3A_80 : i1 to i32
        %cond3A_82 = arith.constant 0 : i32
        %cond3A_83 = arith.cmpi ne, %convert_element_type3A_81, %cond3A_82 : i32
        scf.if %cond3A_83 {
          %add3A_97 = arith.addi %add3A_4, %mul3A_53 : i32
          %add3A_98 = arith.constant 2 : i32
          %add3A_99 = arith.addi %add3A_97, %add3A_98 : i32
          %mul3A_100 = arith.constant 1600 : i32
          %mul3A_101 = arith.muli %add3A_99, %mul3A_100 : i32
          %min3A_102 = arith.constant 1998400 : i32
          %min3A_103 = arith.minsi %mul3A_101, %min3A_102 : i32
          %dma_start3A_104 = tpu.memref_slice %arg2[%min3A_103] : memref<2000000xi32, #tpu.memory_space<hbm>> -> memref<1600xi32, #tpu.memory_space<hbm>>
          %dma_start3A_105 = tpu.memref_slice %arg2[%min3A_103] : memref<2000000xi32, #tpu.memory_space<hbm>> -> memref<1600xi32, #tpu.memory_space<hbm>>
          tpu.enqueue_dma source(%dma_start3A_105 : memref<1600xi32, #tpu.memory_space<hbm>>) target(%arg6 : memref<1600xi32, #tpu.memory_space<vmem>>) target_semaphore(%arg14 : memref<!tpu.dma_semaphore, #tpu.memory_space<semaphore_mem>>)
        } else {
        }
        %ge3A = arith.constant 2 : i32
        %ge3A_84 = arith.cmpi sge, %mul3A_53, %ge3A : i32
        %convert_element_type3A_85 = arith.extui %ge3A_84 : i1 to i32
        %cond3A_86 = arith.constant 0 : i32
        %cond3A_87 = arith.cmpi ne, %convert_element_type3A_85, %cond3A_86 : i32
        scf.if %cond3A_87 {
          %dma_wait3A_97 = arith.constant 0 : i32
          %dma_wait3A_98 = tpu.memref_slice %arg5[%dma_wait3A_97] : memref<2000000xf32, #tpu.memory_space<hbm>> -> memref<1600xf32, #tpu.memory_space<hbm>>
          %dma_wait3A_99 = arith.constant 0 : i32
          %dma_wait3A_100 = tpu.memref_slice %arg5[%dma_wait3A_99] : memref<2000000xf32, #tpu.memory_space<hbm>> -> memref<1600xf32, #tpu.memory_space<hbm>>
          tpu.wait_dma2 semaphore(%arg18 : memref<!tpu.dma_semaphore, #tpu.memory_space<semaphore_mem>>) src(%arg12 : memref<1600xf32, #tpu.memory_space<vmem>>) dst(%dma_wait3A_100 : memref<1600xf32, #tpu.memory_space<hbm>>)
        } else {
        }
        %parallel_loop3A = arith.constant 0 : i32
        %parallel_loop3A_88 = arith.constant 100 : i32
        %parallel_loop3A_89 = arith.constant 1 : i32
        scf.for %parallel_loop3A_97 = %parallel_loop3A to %parallel_loop3A_88 step %parallel_loop3A_89  : i32 {
          %parallel_loop3A_98 = arith.constant 16 : i32
          %parallel_loop3A_99 = arith.muli %parallel_loop3A_97, %parallel_loop3A_98 : i32
          %parallel_loop3A_100 = vector.broadcast %parallel_loop3A_99 : i32 to vector<16xi32>
          %parallel_loop3A_101 = arith.addi %parallel_loop3A_100, %iota3A : vector<16xi32>
          %parallel_loop3A_102 = arith.constant 0.000000e+00 : f32
          %parallel_loop3A_103 = vector.broadcast %parallel_loop3A_102 : f32 to vector<16xf32>
          %parallel_loop3A_104 = arith.constant 0 : i32
          %parallel_loop3A_105 = vector.broadcast %parallel_loop3A_104 : i32 to vector<16xi32>
          %parallel_loop3A_106 = tpu.vector_load_idx %arg10[%parallel_loop3A_101, %parallel_loop3A_105] : memref<1600x16xf32, #tpu.memory_space<vmem>>[vector<16xi32>, vector<16xi32>], vector<16xf32>,
          %parallel_loop3A_107 = tpu.vector_load_idx %arg8[%parallel_loop3A_101, %parallel_loop3A_105] : memref<1600x16xf32, #tpu.memory_space<vmem>>[vector<16xi32>, vector<16xi32>], vector<16xf32>,
          %parallel_loop3A_108 = arith.mulf %parallel_loop3A_106, %parallel_loop3A_107 : vector<16xf32>
          %parallel_loop3A_109 = arith.addf %parallel_loop3A_103, %parallel_loop3A_108 : vector<16xf32>
          %parallel_loop3A_110 = arith.constant 1 : i32
          %parallel_loop3A_111 = vector.broadcast %parallel_loop3A_110 : i32 to vector<16xi32>
          %parallel_loop3A_112 = tpu.vector_load_idx %arg10[%parallel_loop3A_101, %parallel_loop3A_111] : memref<1600x16xf32, #tpu.memory_space<vmem>>[vector<16xi32>, vector<16xi32>], vector<16xf32>,
          %parallel_loop3A_113 = tpu.vector_load_idx %arg8[%parallel_loop3A_101, %parallel_loop3A_111] : memref<1600x16xf32, #tpu.memory_space<vmem>>[vector<16xi32>, vector<16xi32>], vector<16xf32>,
          %parallel_loop3A_114 = arith.mulf %parallel_loop3A_112, %parallel_loop3A_113 : vector<16xf32>
          %parallel_loop3A_115 = arith.addf %parallel_loop3A_109, %parallel_loop3A_114 : vector<16xf32>
          %parallel_loop3A_116 = arith.constant 2 : i32
          %parallel_loop3A_117 = vector.broadcast %parallel_loop3A_116 : i32 to vector<16xi32>
          %parallel_loop3A_118 = tpu.vector_load_idx %arg10[%parallel_loop3A_101, %parallel_loop3A_117] : memref<1600x16xf32, #tpu.memory_space<vmem>>[vector<16xi32>, vector<16xi32>], vector<16xf32>,
          %parallel_loop3A_119 = tpu.vector_load_idx %arg8[%parallel_loop3A_101, %parallel_loop3A_117] : memref<1600x16xf32, #tpu.memory_space<vmem>>[vector<16xi32>, vector<16xi32>], vector<16xf32>,
          %parallel_loop3A_120 = arith.mulf %parallel_loop3A_118, %parallel_loop3A_119 : vector<16xf32>
          %parallel_loop3A_121 = arith.addf %parallel_loop3A_115, %parallel_loop3A_120 : vector<16xf32>
          %parallel_loop3A_122 = arith.constant 3 : i32
          %parallel_loop3A_123 = vector.broadcast %parallel_loop3A_122 : i32 to vector<16xi32>
          %parallel_loop3A_124 = tpu.vector_load_idx %arg10[%parallel_loop3A_101, %parallel_loop3A_123] : memref<1600x16xf32, #tpu.memory_space<vmem>>[vector<16xi32>, vector<16xi32>], vector<16xf32>,
          %parallel_loop3A_125 = tpu.vector_load_idx %arg8[%parallel_loop3A_101, %parallel_loop3A_123] : memref<1600x16xf32, #tpu.memory_space<vmem>>[vector<16xi32>, vector<16xi32>], vector<16xf32>,
          %parallel_loop3A_126 = arith.mulf %parallel_loop3A_124, %parallel_loop3A_125 : vector<16xf32>
          %parallel_loop3A_127 = arith.addf %parallel_loop3A_121, %parallel_loop3A_126 : vector<16xf32>
          %parallel_loop3A_128 = arith.constant 4 : i32
          %parallel_loop3A_129 = vector.broadcast %parallel_loop3A_128 : i32 to vector<16xi32>
          %parallel_loop3A_130 = tpu.vector_load_idx %arg10[%parallel_loop3A_101, %parallel_loop3A_129] : memref<1600x16xf32, #tpu.memory_space<vmem>>[vector<16xi32>, vector<16xi32>], vector<16xf32>,
          %parallel_loop3A_131 = tpu.vector_load_idx %arg8[%parallel_loop3A_101, %parallel_loop3A_129] : memref<1600x16xf32, #tpu.memory_space<vmem>>[vector<16xi32>, vector<16xi32>], vector<16xf32>,
          %parallel_loop3A_132 = arith.mulf %parallel_loop3A_130, %parallel_loop3A_131 : vector<16xf32>
          %parallel_loop3A_133 = arith.addf %parallel_loop3A_127, %parallel_loop3A_132 : vector<16xf32>
          %parallel_loop3A_134 = arith.constant 5 : i32
          %parallel_loop3A_135 = vector.broadcast %parallel_loop3A_134 : i32 to vector<16xi32>
          %parallel_loop3A_136 = tpu.vector_load_idx %arg10[%parallel_loop3A_101, %parallel_loop3A_135] : memref<1600x16xf32, #tpu.memory_space<vmem>>[vector<16xi32>, vector<16xi32>], vector<16xf32>,
          %parallel_loop3A_137 = tpu.vector_load_idx %arg8[%parallel_loop3A_101, %parallel_loop3A_135] : memref<1600x16xf32, #tpu.memory_space<vmem>>[vector<16xi32>, vector<16xi32>], vector<16xf32>,
          %parallel_loop3A_138 = arith.mulf %parallel_loop3A_136, %parallel_loop3A_137 : vector<16xf32>
          %parallel_loop3A_139 = arith.addf %parallel_loop3A_133, %parallel_loop3A_138 : vector<16xf32>
          %parallel_loop3A_140 = arith.constant 6 : i32
          %parallel_loop3A_141 = vector.broadcast %parallel_loop3A_140 : i32 to vector<16xi32>
          %parallel_loop3A_142 = tpu.vector_load_idx %arg10[%parallel_loop3A_101, %parallel_loop3A_141] : memref<1600x16xf32, #tpu.memory_space<vmem>>[vector<16xi32>, vector<16xi32>], vector<16xf32>,
          %parallel_loop3A_143 = tpu.vector_load_idx %arg8[%parallel_loop3A_101, %parallel_loop3A_141] : memref<1600x16xf32, #tpu.memory_space<vmem>>[vector<16xi32>, vector<16xi32>], vector<16xf32>,
          %parallel_loop3A_144 = arith.mulf %parallel_loop3A_142, %parallel_loop3A_143 : vector<16xf32>
          %parallel_loop3A_145 = arith.addf %parallel_loop3A_139, %parallel_loop3A_144 : vector<16xf32>
          %parallel_loop3A_146 = arith.constant 7 : i32
          %parallel_loop3A_147 = vector.broadcast %parallel_loop3A_146 : i32 to vector<16xi32>
          %parallel_loop3A_148 = tpu.vector_load_idx %arg10[%parallel_loop3A_101, %parallel_loop3A_147] : memref<1600x16xf32, #tpu.memory_space<vmem>>[vector<16xi32>, vector<16xi32>], vector<16xf32>,
          %parallel_loop3A_149 = tpu.vector_load_idx %arg8[%parallel_loop3A_101, %parallel_loop3A_147] : memref<1600x16xf32, #tpu.memory_space<vmem>>[vector<16xi32>, vector<16xi32>], vector<16xf32>,
          %parallel_loop3A_150 = arith.mulf %parallel_loop3A_148, %parallel_loop3A_149 : vector<16xf32>
          %parallel_loop3A_151 = arith.addf %parallel_loop3A_145, %parallel_loop3A_150 : vector<16xf32>
          %parallel_loop3A_152 = arith.constant 8 : i32
          %parallel_loop3A_153 = vector.broadcast %parallel_loop3A_152 : i32 to vector<16xi32>
          %parallel_loop3A_154 = tpu.vector_load_idx %arg10[%parallel_loop3A_101, %parallel_loop3A_153] : memref<1600x16xf32, #tpu.memory_space<vmem>>[vector<16xi32>, vector<16xi32>], vector<16xf32>,
          %parallel_loop3A_155 = tpu.vector_load_idx %arg8[%parallel_loop3A_101, %parallel_loop3A_153] : memref<1600x16xf32, #tpu.memory_space<vmem>>[vector<16xi32>, vector<16xi32>], vector<16xf32>,
          %parallel_loop3A_156 = arith.mulf %parallel_loop3A_154, %parallel_loop3A_155 : vector<16xf32>
          %parallel_loop3A_157 = arith.addf %parallel_loop3A_151, %parallel_loop3A_156 : vector<16xf32>
          %parallel_loop3A_158 = arith.constant 9 : i32
          %parallel_loop3A_159 = vector.broadcast %parallel_loop3A_158 : i32 to vector<16xi32>
          %parallel_loop3A_160 = tpu.vector_load_idx %arg10[%parallel_loop3A_101, %parallel_loop3A_159] : memref<1600x16xf32, #tpu.memory_space<vmem>>[vector<16xi32>, vector<16xi32>], vector<16xf32>,
          %parallel_loop3A_161 = tpu.vector_load_idx %arg8[%parallel_loop3A_101, %parallel_loop3A_159] : memref<1600x16xf32, #tpu.memory_space<vmem>>[vector<16xi32>, vector<16xi32>], vector<16xf32>,
          %parallel_loop3A_162 = arith.mulf %parallel_loop3A_160, %parallel_loop3A_161 : vector<16xf32>
          %parallel_loop3A_163 = arith.addf %parallel_loop3A_157, %parallel_loop3A_162 : vector<16xf32>
          %parallel_loop3A_164 = arith.constant 10 : i32
          %parallel_loop3A_165 = vector.broadcast %parallel_loop3A_164 : i32 to vector<16xi32>
          %parallel_loop3A_166 = tpu.vector_load_idx %arg10[%parallel_loop3A_101, %parallel_loop3A_165] : memref<1600x16xf32, #tpu.memory_space<vmem>>[vector<16xi32>, vector<16xi32>], vector<16xf32>,
          %parallel_loop3A_167 = tpu.vector_load_idx %arg8[%parallel_loop3A_101, %parallel_loop3A_165] : memref<1600x16xf32, #tpu.memory_space<vmem>>[vector<16xi32>, vector<16xi32>], vector<16xf32>,
          %parallel_loop3A_168 = arith.mulf %parallel_loop3A_166, %parallel_loop3A_167 : vector<16xf32>
          %parallel_loop3A_169 = arith.addf %parallel_loop3A_163, %parallel_loop3A_168 : vector<16xf32>
          %parallel_loop3A_170 = arith.constant 11 : i32
          %parallel_loop3A_171 = vector.broadcast %parallel_loop3A_170 : i32 to vector<16xi32>
          %parallel_loop3A_172 = tpu.vector_load_idx %arg10[%parallel_loop3A_101, %parallel_loop3A_171] : memref<1600x16xf32, #tpu.memory_space<vmem>>[vector<16xi32>, vector<16xi32>], vector<16xf32>,
          %parallel_loop3A_173 = tpu.vector_load_idx %arg8[%parallel_loop3A_101, %parallel_loop3A_171] : memref<1600x16xf32, #tpu.memory_space<vmem>>[vector<16xi32>, vector<16xi32>], vector<16xf32>,
          %parallel_loop3A_174 = arith.mulf %parallel_loop3A_172, %parallel_loop3A_173 : vector<16xf32>
          %parallel_loop3A_175 = arith.addf %parallel_loop3A_169, %parallel_loop3A_174 : vector<16xf32>
          %parallel_loop3A_176 = arith.constant 12 : i32
          %parallel_loop3A_177 = vector.broadcast %parallel_loop3A_176 : i32 to vector<16xi32>
          %parallel_loop3A_178 = tpu.vector_load_idx %arg10[%parallel_loop3A_101, %parallel_loop3A_177] : memref<1600x16xf32, #tpu.memory_space<vmem>>[vector<16xi32>, vector<16xi32>], vector<16xf32>,
          %parallel_loop3A_179 = tpu.vector_load_idx %arg8[%parallel_loop3A_101, %parallel_loop3A_177] : memref<1600x16xf32, #tpu.memory_space<vmem>>[vector<16xi32>, vector<16xi32>], vector<16xf32>,
          %parallel_loop3A_180 = arith.mulf %parallel_loop3A_178, %parallel_loop3A_179 : vector<16xf32>
          %parallel_loop3A_181 = arith.addf %parallel_loop3A_175, %parallel_loop3A_180 : vector<16xf32>
          %parallel_loop3A_182 = arith.constant 13 : i32
          %parallel_loop3A_183 = vector.broadcast %parallel_loop3A_182 : i32 to vector<16xi32>
          %parallel_loop3A_184 = tpu.vector_load_idx %arg10[%parallel_loop3A_101, %parallel_loop3A_183] : memref<1600x16xf32, #tpu.memory_space<vmem>>[vector<16xi32>, vector<16xi32>], vector<16xf32>,
          %parallel_loop3A_185 = tpu.vector_load_idx %arg8[%parallel_loop3A_101, %parallel_loop3A_183] : memref<1600x16xf32, #tpu.memory_space<vmem>>[vector<16xi32>, vector<16xi32>], vector<16xf32>,
          %parallel_loop3A_186 = arith.mulf %parallel_loop3A_184, %parallel_loop3A_185 : vector<16xf32>
          %parallel_loop3A_187 = arith.addf %parallel_loop3A_181, %parallel_loop3A_186 : vector<16xf32>
          %parallel_loop3A_188 = arith.constant 14 : i32
          %parallel_loop3A_189 = vector.broadcast %parallel_loop3A_188 : i32 to vector<16xi32>
          %parallel_loop3A_190 = tpu.vector_load_idx %arg10[%parallel_loop3A_101, %parallel_loop3A_189] : memref<1600x16xf32, #tpu.memory_space<vmem>>[vector<16xi32>, vector<16xi32>], vector<16xf32>,
          %parallel_loop3A_191 = tpu.vector_load_idx %arg8[%parallel_loop3A_101, %parallel_loop3A_189] : memref<1600x16xf32, #tpu.memory_space<vmem>>[vector<16xi32>, vector<16xi32>], vector<16xf32>,
          %parallel_loop3A_192 = arith.mulf %parallel_loop3A_190, %parallel_loop3A_191 : vector<16xf32>
          %parallel_loop3A_193 = arith.addf %parallel_loop3A_187, %parallel_loop3A_192 : vector<16xf32>
          %parallel_loop3A_194 = arith.constant 15 : i32
          %parallel_loop3A_195 = vector.broadcast %parallel_loop3A_194 : i32 to vector<16xi32>
          %parallel_loop3A_196 = tpu.vector_load_idx %arg10[%parallel_loop3A_101, %parallel_loop3A_195] : memref<1600x16xf32, #tpu.memory_space<vmem>>[vector<16xi32>, vector<16xi32>], vector<16xf32>,
          %parallel_loop3A_197 = tpu.vector_load_idx %arg8[%parallel_loop3A_101, %parallel_loop3A_195] : memref<1600x16xf32, #tpu.memory_space<vmem>>[vector<16xi32>, vector<16xi32>], vector<16xf32>,
          %parallel_loop3A_198 = arith.mulf %parallel_loop3A_196, %parallel_loop3A_197 : vector<16xf32>
          %parallel_loop3A_199 = arith.addf %parallel_loop3A_193, %parallel_loop3A_198 : vector<16xf32>
          %parallel_loop3A_200 = arith.index_cast %parallel_loop3A_99 : i32 to index
          %parallel_loop3A_201 = tpu.vector_load %arg12[%parallel_loop3A_200] {strides = array<i32>} : memref<1600xf32, #tpu.memory_space<vmem>>, vector<16xf32>,
          tpu.vector_store %arg12[%parallel_loop3A_200], %parallel_loop3A_199 {strides = array<i32>} : memref<1600xf32, #tpu.memory_space<vmem>>, vector<16xf32>,
        } {sc.loop_unroll_factor = 1 : i64, sc.parallel_access}
        %add3A_90 = arith.addi %add3A_4, %mul3A_53 : i32
        %mul3A_91 = arith.constant 1600 : i32
        %mul3A_92 = arith.muli %add3A_90, %mul3A_91 : i32
        %min3A_93 = arith.constant 1998400 : i32
        %min3A_94 = arith.minsi %mul3A_92, %min3A_93 : i32
        %dma_start3A_95 = tpu.memref_slice %arg5[%min3A_94] : memref<2000000xf32, #tpu.memory_space<hbm>> -> memref<1600xf32, #tpu.memory_space<hbm>>
        %dma_start3A_96 = tpu.memref_slice %arg5[%min3A_94] : memref<2000000xf32, #tpu.memory_space<hbm>> -> memref<1600xf32, #tpu.memory_space<hbm>>
        tpu.enqueue_dma source(%arg12 : memref<1600xf32, #tpu.memory_space<vmem>>) target(%dma_start3A_96 : memref<1600xf32, #tpu.memory_space<hbm>>) target_semaphore(%arg18 : memref<!tpu.dma_semaphore, #tpu.memory_space<semaphore_mem>>)
      } else {
      }
      %add3A_56 = arith.constant 1 : i32
      %add3A_57 = arith.addi %mul3A_53, %add3A_56 : i32
      %lt3A_58 = arith.cmpi slt, %add3A_57, %add3A_8 : i32
      %convert_element_type3A_59 = arith.extui %lt3A_58 : i1 to i32
      %cond3A_60 = arith.constant 0 : i32
      %cond3A_61 = arith.cmpi ne, %convert_element_type3A_59, %cond3A_60 : i32
      scf.if %cond3A_61 {
        %add3A_63 = arith.constant 1 : i32
        %add3A_64 = arith.addi %mul3A_53, %add3A_63 : i32
        %dma_wait3A_65 = arith.constant 0 : i32
        %dma_wait3A_66 = arith.constant 0 : i32
        %dma_wait3A_67 = tpu.memref_slice %arg3[%dma_wait3A_65, %dma_wait3A_66] : memref<1000000x16xf32, #tpu.memory_space<hbm>> -> memref<1000000x16xf32, #tpu.memory_space<hbm>>
        tpu.wait_indirect_dma semaphore(%arg17 : memref<!tpu.dma_semaphore, #tpu.memory_space<semaphore_mem>>) src(%dma_wait3A_67 : memref<1000000x16xf32, #tpu.memory_space<hbm>>) dst(%arg9 : memref<1600x16xf32, #tpu.memory_space<vmem>>)
        %dma_wait3A_68 = arith.constant 0 : i32
        %dma_wait3A_69 = arith.constant 0 : i32
        %dma_wait3A_70 = tpu.memref_slice %arg4[%dma_wait3A_68, %dma_wait3A_69] : memref<2000000x16xf32, #tpu.memory_space<hbm>> -> memref<1600x16xf32, #tpu.memory_space<hbm>>
        %dma_wait3A_71 = arith.constant 0 : i32
        %dma_wait3A_72 = arith.constant 0 : i32
        %dma_wait3A_73 = tpu.memref_slice %arg4[%dma_wait3A_71, %dma_wait3A_72] : memref<2000000x16xf32, #tpu.memory_space<hbm>> -> memref<1600x16xf32, #tpu.memory_space<hbm>>
        tpu.wait_dma2 semaphore(%arg17 : memref<!tpu.dma_semaphore, #tpu.memory_space<semaphore_mem>>) src(%dma_wait3A_73 : memref<1600x16xf32, #tpu.memory_space<hbm>>) dst(%arg11 : memref<1600x16xf32, #tpu.memory_space<vmem>>)
        %add3A_74 = arith.constant 1 : i32
        %add3A_75 = arith.addi %add3A_64, %add3A_74 : i32
        %lt3A_76 = arith.cmpi slt, %add3A_75, %add3A_8 : i32
        %convert_element_type3A_77 = arith.extui %lt3A_76 : i1 to i32
        %cond3A_78 = arith.constant 0 : i32
        %cond3A_79 = arith.cmpi ne, %convert_element_type3A_77, %cond3A_78 : i32
        scf.if %cond3A_79 {
          %dma_wait3A_99 = arith.constant 0 : i32
          %dma_wait3A_100 = tpu.memref_slice %arg2[%dma_wait3A_99] : memref<2000000xi32, #tpu.memory_space<hbm>> -> memref<1600xi32, #tpu.memory_space<hbm>>
          %dma_wait3A_101 = arith.constant 0 : i32
          %dma_wait3A_102 = tpu.memref_slice %arg2[%dma_wait3A_101] : memref<2000000xi32, #tpu.memory_space<hbm>> -> memref<1600xi32, #tpu.memory_space<hbm>>
          tpu.wait_dma2 semaphore(%arg14 : memref<!tpu.dma_semaphore, #tpu.memory_space<semaphore_mem>>) src(%dma_wait3A_102 : memref<1600xi32, #tpu.memory_space<hbm>>) dst(%arg6 : memref<1600xi32, #tpu.memory_space<vmem>>)
          %add3A_103 = arith.addi %add3A_4, %add3A_64 : i32
          %add3A_104 = arith.constant 1 : i32
          %add3A_105 = arith.addi %add3A_103, %add3A_104 : i32
          %mul3A_106 = arith.constant 1600 : i32
          %mul3A_107 = arith.muli %add3A_105, %mul3A_106 : i32
          %min3A_108 = arith.constant 1998400 : i32
          %min3A_109 = arith.minsi %mul3A_107, %min3A_108 : i32
          %dma_start3A_110 = arith.constant 0 : i32
          %dma_start3A_111 = arith.constant 0 : i32
          %dma_start3A_112 = tpu.memref_slice %arg3[%dma_start3A_110, %dma_start3A_111] : memref<1000000x16xf32, #tpu.memory_space<hbm>> -> memref<1000000x16xf32, #tpu.memory_space<hbm>>
          tpu.enqueue_indirect_dma source(%dma_start3A_112 : memref<1000000x16xf32, #tpu.memory_space<hbm>>) target(%arg8 : memref<1600x16xf32, #tpu.memory_space<vmem>>) offsets(%arg6 : memref<1600xi32, #tpu.memory_space<vmem>>) semaphore(%arg16 : memref<!tpu.dma_semaphore, #tpu.memory_space<semaphore_mem>>)
          %dma_start3A_113 = arith.constant 0 : i32
          %dma_start3A_114 = tpu.memref_slice %arg4[%min3A_109, %dma_start3A_113] : memref<2000000x16xf32, #tpu.memory_space<hbm>> -> memref<1600x16xf32, #tpu.memory_space<hbm>>
          %dma_start3A_115 = arith.constant 0 : i32
          %dma_start3A_116 = tpu.memref_slice %arg4[%min3A_109, %dma_start3A_115] : memref<2000000x16xf32, #tpu.memory_space<hbm>> -> memref<1600x16xf32, #tpu.memory_space<hbm>>
          tpu.enqueue_dma source(%dma_start3A_116 : memref<1600x16xf32, #tpu.memory_space<hbm>>) target(%arg10 : memref<1600x16xf32, #tpu.memory_space<vmem>>) target_semaphore(%arg16 : memref<!tpu.dma_semaphore, #tpu.memory_space<semaphore_mem>>)
        } else {
        }
        %add3A_80 = arith.constant 2 : i32
        %add3A_81 = arith.addi %add3A_64, %add3A_80 : i32
        %lt3A_82 = arith.cmpi slt, %add3A_81, %add3A_8 : i32
        %convert_element_type3A_83 = arith.extui %lt3A_82 : i1 to i32
        %cond3A_84 = arith.constant 0 : i32
        %cond3A_85 = arith.cmpi ne, %convert_element_type3A_83, %cond3A_84 : i32
        scf.if %cond3A_85 {
          %add3A_99 = arith.addi %add3A_4, %add3A_64 : i32
          %add3A_100 = arith.constant 2 : i32
          %add3A_101 = arith.addi %add3A_99, %add3A_100 : i32
          %mul3A_102 = arith.constant 1600 : i32
          %mul3A_103 = arith.muli %add3A_101, %mul3A_102 : i32
          %min3A_104 = arith.constant 1998400 : i32
          %min3A_105 = arith.minsi %mul3A_103, %min3A_104 : i32
          %dma_start3A_106 = tpu.memref_slice %arg2[%min3A_105] : memref<2000000xi32, #tpu.memory_space<hbm>> -> memref<1600xi32, #tpu.memory_space<hbm>>
          %dma_start3A_107 = tpu.memref_slice %arg2[%min3A_105] : memref<2000000xi32, #tpu.memory_space<hbm>> -> memref<1600xi32, #tpu.memory_space<hbm>>
          tpu.enqueue_dma source(%dma_start3A_107 : memref<1600xi32, #tpu.memory_space<hbm>>) target(%arg7 : memref<1600xi32, #tpu.memory_space<vmem>>) target_semaphore(%arg15 : memref<!tpu.dma_semaphore, #tpu.memory_space<semaphore_mem>>)
        } else {
        }
        %ge3A = arith.constant 2 : i32
        %ge3A_86 = arith.cmpi sge, %add3A_64, %ge3A : i32
        %convert_element_type3A_87 = arith.extui %ge3A_86 : i1 to i32
        %cond3A_88 = arith.constant 0 : i32
        %cond3A_89 = arith.cmpi ne, %convert_element_type3A_87, %cond3A_88 : i32
        scf.if %cond3A_89 {
          %dma_wait3A_99 = arith.constant 0 : i32
          %dma_wait3A_100 = tpu.memref_slice %arg5[%dma_wait3A_99] : memref<2000000xf32, #tpu.memory_space<hbm>> -> memref<1600xf32, #tpu.memory_space<hbm>>
          %dma_wait3A_101 = arith.constant 0 : i32
          %dma_wait3A_102 = tpu.memref_slice %arg5[%dma_wait3A_101] : memref<2000000xf32, #tpu.memory_space<hbm>> -> memref<1600xf32, #tpu.memory_space<hbm>>
          tpu.wait_dma2 semaphore(%arg19 : memref<!tpu.dma_semaphore, #tpu.memory_space<semaphore_mem>>) src(%arg13 : memref<1600xf32, #tpu.memory_space<vmem>>) dst(%dma_wait3A_102 : memref<1600xf32, #tpu.memory_space<hbm>>)
        } else {
        }
        %parallel_loop3A = arith.constant 0 : i32
        %parallel_loop3A_90 = arith.constant 100 : i32
        %parallel_loop3A_91 = arith.constant 1 : i32
        scf.for %parallel_loop3A_99 = %parallel_loop3A to %parallel_loop3A_90 step %parallel_loop3A_91  : i32 {
          %parallel_loop3A_100 = arith.constant 16 : i32
          %parallel_loop3A_101 = arith.muli %parallel_loop3A_99, %parallel_loop3A_100 : i32
          %parallel_loop3A_102 = vector.broadcast %parallel_loop3A_101 : i32 to vector<16xi32>
          %parallel_loop3A_103 = arith.addi %parallel_loop3A_102, %iota3A : vector<16xi32>
          %parallel_loop3A_104 = arith.constant 0.000000e+00 : f32
          %parallel_loop3A_105 = vector.broadcast %parallel_loop3A_104 : f32 to vector<16xf32>
          %parallel_loop3A_106 = arith.constant 0 : i32
          %parallel_loop3A_107 = vector.broadcast %parallel_loop3A_106 : i32 to vector<16xi32>
          %parallel_loop3A_108 = tpu.vector_load_idx %arg11[%parallel_loop3A_103, %parallel_loop3A_107] : memref<1600x16xf32, #tpu.memory_space<vmem>>[vector<16xi32>, vector<16xi32>], vector<16xf32>,
          %parallel_loop3A_109 = tpu.vector_load_idx %arg9[%parallel_loop3A_103, %parallel_loop3A_107] : memref<1600x16xf32, #tpu.memory_space<vmem>>[vector<16xi32>, vector<16xi32>], vector<16xf32>,
          %parallel_loop3A_110 = arith.mulf %parallel_loop3A_108, %parallel_loop3A_109 : vector<16xf32>
          %parallel_loop3A_111 = arith.addf %parallel_loop3A_105, %parallel_loop3A_110 : vector<16xf32>
          %parallel_loop3A_112 = arith.constant 1 : i32
          %parallel_loop3A_113 = vector.broadcast %parallel_loop3A_112 : i32 to vector<16xi32>
          %parallel_loop3A_114 = tpu.vector_load_idx %arg11[%parallel_loop3A_103, %parallel_loop3A_113] : memref<1600x16xf32, #tpu.memory_space<vmem>>[vector<16xi32>, vector<16xi32>], vector<16xf32>,
          %parallel_loop3A_115 = tpu.vector_load_idx %arg9[%parallel_loop3A_103, %parallel_loop3A_113] : memref<1600x16xf32, #tpu.memory_space<vmem>>[vector<16xi32>, vector<16xi32>], vector<16xf32>,
          %parallel_loop3A_116 = arith.mulf %parallel_loop3A_114, %parallel_loop3A_115 : vector<16xf32>
          %parallel_loop3A_117 = arith.addf %parallel_loop3A_111, %parallel_loop3A_116 : vector<16xf32>
          %parallel_loop3A_118 = arith.constant 2 : i32
          %parallel_loop3A_119 = vector.broadcast %parallel_loop3A_118 : i32 to vector<16xi32>
          %parallel_loop3A_120 = tpu.vector_load_idx %arg11[%parallel_loop3A_103, %parallel_loop3A_119] : memref<1600x16xf32, #tpu.memory_space<vmem>>[vector<16xi32>, vector<16xi32>], vector<16xf32>,
          %parallel_loop3A_121 = tpu.vector_load_idx %arg9[%parallel_loop3A_103, %parallel_loop3A_119] : memref<1600x16xf32, #tpu.memory_space<vmem>>[vector<16xi32>, vector<16xi32>], vector<16xf32>,
          %parallel_loop3A_122 = arith.mulf %parallel_loop3A_120, %parallel_loop3A_121 : vector<16xf32>
          %parallel_loop3A_123 = arith.addf %parallel_loop3A_117, %parallel_loop3A_122 : vector<16xf32>
          %parallel_loop3A_124 = arith.constant 3 : i32
          %parallel_loop3A_125 = vector.broadcast %parallel_loop3A_124 : i32 to vector<16xi32>
          %parallel_loop3A_126 = tpu.vector_load_idx %arg11[%parallel_loop3A_103, %parallel_loop3A_125] : memref<1600x16xf32, #tpu.memory_space<vmem>>[vector<16xi32>, vector<16xi32>], vector<16xf32>,
          %parallel_loop3A_127 = tpu.vector_load_idx %arg9[%parallel_loop3A_103, %parallel_loop3A_125] : memref<1600x16xf32, #tpu.memory_space<vmem>>[vector<16xi32>, vector<16xi32>], vector<16xf32>,
          %parallel_loop3A_128 = arith.mulf %parallel_loop3A_126, %parallel_loop3A_127 : vector<16xf32>
          %parallel_loop3A_129 = arith.addf %parallel_loop3A_123, %parallel_loop3A_128 : vector<16xf32>
          %parallel_loop3A_130 = arith.constant 4 : i32
          %parallel_loop3A_131 = vector.broadcast %parallel_loop3A_130 : i32 to vector<16xi32>
          %parallel_loop3A_132 = tpu.vector_load_idx %arg11[%parallel_loop3A_103, %parallel_loop3A_131] : memref<1600x16xf32, #tpu.memory_space<vmem>>[vector<16xi32>, vector<16xi32>], vector<16xf32>,
          %parallel_loop3A_133 = tpu.vector_load_idx %arg9[%parallel_loop3A_103, %parallel_loop3A_131] : memref<1600x16xf32, #tpu.memory_space<vmem>>[vector<16xi32>, vector<16xi32>], vector<16xf32>,
          %parallel_loop3A_134 = arith.mulf %parallel_loop3A_132, %parallel_loop3A_133 : vector<16xf32>
          %parallel_loop3A_135 = arith.addf %parallel_loop3A_129, %parallel_loop3A_134 : vector<16xf32>
          %parallel_loop3A_136 = arith.constant 5 : i32
          %parallel_loop3A_137 = vector.broadcast %parallel_loop3A_136 : i32 to vector<16xi32>
          %parallel_loop3A_138 = tpu.vector_load_idx %arg11[%parallel_loop3A_103, %parallel_loop3A_137] : memref<1600x16xf32, #tpu.memory_space<vmem>>[vector<16xi32>, vector<16xi32>], vector<16xf32>,
          %parallel_loop3A_139 = tpu.vector_load_idx %arg9[%parallel_loop3A_103, %parallel_loop3A_137] : memref<1600x16xf32, #tpu.memory_space<vmem>>[vector<16xi32>, vector<16xi32>], vector<16xf32>,
          %parallel_loop3A_140 = arith.mulf %parallel_loop3A_138, %parallel_loop3A_139 : vector<16xf32>
          %parallel_loop3A_141 = arith.addf %parallel_loop3A_135, %parallel_loop3A_140 : vector<16xf32>
          %parallel_loop3A_142 = arith.constant 6 : i32
          %parallel_loop3A_143 = vector.broadcast %parallel_loop3A_142 : i32 to vector<16xi32>
          %parallel_loop3A_144 = tpu.vector_load_idx %arg11[%parallel_loop3A_103, %parallel_loop3A_143] : memref<1600x16xf32, #tpu.memory_space<vmem>>[vector<16xi32>, vector<16xi32>], vector<16xf32>,
          %parallel_loop3A_145 = tpu.vector_load_idx %arg9[%parallel_loop3A_103, %parallel_loop3A_143] : memref<1600x16xf32, #tpu.memory_space<vmem>>[vector<16xi32>, vector<16xi32>], vector<16xf32>,
          %parallel_loop3A_146 = arith.mulf %parallel_loop3A_144, %parallel_loop3A_145 : vector<16xf32>
          %parallel_loop3A_147 = arith.addf %parallel_loop3A_141, %parallel_loop3A_146 : vector<16xf32>
          %parallel_loop3A_148 = arith.constant 7 : i32
          %parallel_loop3A_149 = vector.broadcast %parallel_loop3A_148 : i32 to vector<16xi32>
          %parallel_loop3A_150 = tpu.vector_load_idx %arg11[%parallel_loop3A_103, %parallel_loop3A_149] : memref<1600x16xf32, #tpu.memory_space<vmem>>[vector<16xi32>, vector<16xi32>], vector<16xf32>,
          %parallel_loop3A_151 = tpu.vector_load_idx %arg9[%parallel_loop3A_103, %parallel_loop3A_149] : memref<1600x16xf32, #tpu.memory_space<vmem>>[vector<16xi32>, vector<16xi32>], vector<16xf32>,
          %parallel_loop3A_152 = arith.mulf %parallel_loop3A_150, %parallel_loop3A_151 : vector<16xf32>
          %parallel_loop3A_153 = arith.addf %parallel_loop3A_147, %parallel_loop3A_152 : vector<16xf32>
          %parallel_loop3A_154 = arith.constant 8 : i32
          %parallel_loop3A_155 = vector.broadcast %parallel_loop3A_154 : i32 to vector<16xi32>
          %parallel_loop3A_156 = tpu.vector_load_idx %arg11[%parallel_loop3A_103, %parallel_loop3A_155] : memref<1600x16xf32, #tpu.memory_space<vmem>>[vector<16xi32>, vector<16xi32>], vector<16xf32>,
          %parallel_loop3A_157 = tpu.vector_load_idx %arg9[%parallel_loop3A_103, %parallel_loop3A_155] : memref<1600x16xf32, #tpu.memory_space<vmem>>[vector<16xi32>, vector<16xi32>], vector<16xf32>,
          %parallel_loop3A_158 = arith.mulf %parallel_loop3A_156, %parallel_loop3A_157 : vector<16xf32>
          %parallel_loop3A_159 = arith.addf %parallel_loop3A_153, %parallel_loop3A_158 : vector<16xf32>
          %parallel_loop3A_160 = arith.constant 9 : i32
          %parallel_loop3A_161 = vector.broadcast %parallel_loop3A_160 : i32 to vector<16xi32>
          %parallel_loop3A_162 = tpu.vector_load_idx %arg11[%parallel_loop3A_103, %parallel_loop3A_161] : memref<1600x16xf32, #tpu.memory_space<vmem>>[vector<16xi32>, vector<16xi32>], vector<16xf32>,
          %parallel_loop3A_163 = tpu.vector_load_idx %arg9[%parallel_loop3A_103, %parallel_loop3A_161] : memref<1600x16xf32, #tpu.memory_space<vmem>>[vector<16xi32>, vector<16xi32>], vector<16xf32>,
          %parallel_loop3A_164 = arith.mulf %parallel_loop3A_162, %parallel_loop3A_163 : vector<16xf32>
          %parallel_loop3A_165 = arith.addf %parallel_loop3A_159, %parallel_loop3A_164 : vector<16xf32>
          %parallel_loop3A_166 = arith.constant 10 : i32
          %parallel_loop3A_167 = vector.broadcast %parallel_loop3A_166 : i32 to vector<16xi32>
          %parallel_loop3A_168 = tpu.vector_load_idx %arg11[%parallel_loop3A_103, %parallel_loop3A_167] : memref<1600x16xf32, #tpu.memory_space<vmem>>[vector<16xi32>, vector<16xi32>], vector<16xf32>,
          %parallel_loop3A_169 = tpu.vector_load_idx %arg9[%parallel_loop3A_103, %parallel_loop3A_167] : memref<1600x16xf32, #tpu.memory_space<vmem>>[vector<16xi32>, vector<16xi32>], vector<16xf32>,
          %parallel_loop3A_170 = arith.mulf %parallel_loop3A_168, %parallel_loop3A_169 : vector<16xf32>
          %parallel_loop3A_171 = arith.addf %parallel_loop3A_165, %parallel_loop3A_170 : vector<16xf32>
          %parallel_loop3A_172 = arith.constant 11 : i32
          %parallel_loop3A_173 = vector.broadcast %parallel_loop3A_172 : i32 to vector<16xi32>
          %parallel_loop3A_174 = tpu.vector_load_idx %arg11[%parallel_loop3A_103, %parallel_loop3A_173] : memref<1600x16xf32, #tpu.memory_space<vmem>>[vector<16xi32>, vector<16xi32>], vector<16xf32>,
          %parallel_loop3A_175 = tpu.vector_load_idx %arg9[%parallel_loop3A_103, %parallel_loop3A_173] : memref<1600x16xf32, #tpu.memory_space<vmem>>[vector<16xi32>, vector<16xi32>], vector<16xf32>,
          %parallel_loop3A_176 = arith.mulf %parallel_loop3A_174, %parallel_loop3A_175 : vector<16xf32>
          %parallel_loop3A_177 = arith.addf %parallel_loop3A_171, %parallel_loop3A_176 : vector<16xf32>
          %parallel_loop3A_178 = arith.constant 12 : i32
          %parallel_loop3A_179 = vector.broadcast %parallel_loop3A_178 : i32 to vector<16xi32>
          %parallel_loop3A_180 = tpu.vector_load_idx %arg11[%parallel_loop3A_103, %parallel_loop3A_179] : memref<1600x16xf32, #tpu.memory_space<vmem>>[vector<16xi32>, vector<16xi32>], vector<16xf32>,
          %parallel_loop3A_181 = tpu.vector_load_idx %arg9[%parallel_loop3A_103, %parallel_loop3A_179] : memref<1600x16xf32, #tpu.memory_space<vmem>>[vector<16xi32>, vector<16xi32>], vector<16xf32>,
          %parallel_loop3A_182 = arith.mulf %parallel_loop3A_180, %parallel_loop3A_181 : vector<16xf32>
          %parallel_loop3A_183 = arith.addf %parallel_loop3A_177, %parallel_loop3A_182 : vector<16xf32>
          %parallel_loop3A_184 = arith.constant 13 : i32
          %parallel_loop3A_185 = vector.broadcast %parallel_loop3A_184 : i32 to vector<16xi32>
          %parallel_loop3A_186 = tpu.vector_load_idx %arg11[%parallel_loop3A_103, %parallel_loop3A_185] : memref<1600x16xf32, #tpu.memory_space<vmem>>[vector<16xi32>, vector<16xi32>], vector<16xf32>,
          %parallel_loop3A_187 = tpu.vector_load_idx %arg9[%parallel_loop3A_103, %parallel_loop3A_185] : memref<1600x16xf32, #tpu.memory_space<vmem>>[vector<16xi32>, vector<16xi32>], vector<16xf32>,
          %parallel_loop3A_188 = arith.mulf %parallel_loop3A_186, %parallel_loop3A_187 : vector<16xf32>
          %parallel_loop3A_189 = arith.addf %parallel_loop3A_183, %parallel_loop3A_188 : vector<16xf32>
          %parallel_loop3A_190 = arith.constant 14 : i32
          %parallel_loop3A_191 = vector.broadcast %parallel_loop3A_190 : i32 to vector<16xi32>
          %parallel_loop3A_192 = tpu.vector_load_idx %arg11[%parallel_loop3A_103, %parallel_loop3A_191] : memref<1600x16xf32, #tpu.memory_space<vmem>>[vector<16xi32>, vector<16xi32>], vector<16xf32>,
          %parallel_loop3A_193 = tpu.vector_load_idx %arg9[%parallel_loop3A_103, %parallel_loop3A_191] : memref<1600x16xf32, #tpu.memory_space<vmem>>[vector<16xi32>, vector<16xi32>], vector<16xf32>,
          %parallel_loop3A_194 = arith.mulf %parallel_loop3A_192, %parallel_loop3A_193 : vector<16xf32>
          %parallel_loop3A_195 = arith.addf %parallel_loop3A_189, %parallel_loop3A_194 : vector<16xf32>
          %parallel_loop3A_196 = arith.constant 15 : i32
          %parallel_loop3A_197 = vector.broadcast %parallel_loop3A_196 : i32 to vector<16xi32>
          %parallel_loop3A_198 = tpu.vector_load_idx %arg11[%parallel_loop3A_103, %parallel_loop3A_197] : memref<1600x16xf32, #tpu.memory_space<vmem>>[vector<16xi32>, vector<16xi32>], vector<16xf32>,
          %parallel_loop3A_199 = tpu.vector_load_idx %arg9[%parallel_loop3A_103, %parallel_loop3A_197] : memref<1600x16xf32, #tpu.memory_space<vmem>>[vector<16xi32>, vector<16xi32>], vector<16xf32>,
          %parallel_loop3A_200 = arith.mulf %parallel_loop3A_198, %parallel_loop3A_199 : vector<16xf32>
          %parallel_loop3A_201 = arith.addf %parallel_loop3A_195, %parallel_loop3A_200 : vector<16xf32>
          %parallel_loop3A_202 = arith.index_cast %parallel_loop3A_101 : i32 to index
          %parallel_loop3A_203 = tpu.vector_load %arg13[%parallel_loop3A_202] {strides = array<i32>} : memref<1600xf32, #tpu.memory_space<vmem>>, vector<16xf32>,
          tpu.vector_store %arg13[%parallel_loop3A_202], %parallel_loop3A_201 {strides = array<i32>} : memref<1600xf32, #tpu.memory_space<vmem>>, vector<16xf32>,
        } {sc.loop_unroll_factor = 1 : i64, sc.parallel_access}
        %add3A_92 = arith.addi %add3A_4, %add3A_64 : i32
        %mul3A_93 = arith.constant 1600 : i32
        %mul3A_94 = arith.muli %add3A_92, %mul3A_93 : i32
        %min3A_95 = arith.constant 1998400 : i32
        %min3A_96 = arith.minsi %mul3A_94, %min3A_95 : i32
        %dma_start3A_97 = tpu.memref_slice %arg5[%min3A_96] : memref<2000000xf32, #tpu.memory_space<hbm>> -> memref<1600xf32, #tpu.memory_space<hbm>>
        %dma_start3A_98 = tpu.memref_slice %arg5[%min3A_96] : memref<2000000xf32, #tpu.memory_space<hbm>> -> memref<1600xf32, #tpu.memory_space<hbm>>
        tpu.enqueue_dma source(%arg13 : memref<1600xf32, #tpu.memory_space<vmem>>) target(%dma_start3A_98 : memref<1600xf32, #tpu.memory_space<hbm>>) target_semaphore(%arg19 : memref<!tpu.dma_semaphore, #tpu.memory_space<semaphore_mem>>)
      } else {
      }
      %scan3A_62 = arith.constant 0 : i32
      scf.yield %scan3A_62 : i32
    }
    %scan3A_41 = arith.constant 20 : i32
    %dma_wait3A_42 = arith.constant 0 : i32
    %dma_wait3A_43 = tpu.memref_slice %arg5[%dma_wait3A_42] : memref<2000000xf32, #tpu.memory_space<hbm>> -> memref<1600xf32, #tpu.memory_space<hbm>>
    %dma_wait3A_44 = arith.constant 0 : i32
    %dma_wait3A_45 = tpu.memref_slice %arg5[%dma_wait3A_44] : memref<2000000xf32, #tpu.memory_space<hbm>> -> memref<1600xf32, #tpu.memory_space<hbm>>
    tpu.wait_dma2 semaphore(%arg18 : memref<!tpu.dma_semaphore, #tpu.memory_space<semaphore_mem>>) src(%arg12 : memref<1600xf32, #tpu.memory_space<vmem>>) dst(%dma_wait3A_45 : memref<1600xf32, #tpu.memory_space<hbm>>)
    %dma_wait3A_46 = arith.constant 0 : i32
    %dma_wait3A_47 = tpu.memref_slice %arg5[%dma_wait3A_46] : memref<2000000xf32, #tpu.memory_space<hbm>> -> memref<1600xf32, #tpu.memory_space<hbm>>
    %dma_wait3A_48 = arith.constant 0 : i32
    %dma_wait3A_49 = tpu.memref_slice %arg5[%dma_wait3A_48] : memref<2000000xf32, #tpu.memory_space<hbm>> -> memref<1600xf32, #tpu.memory_space<hbm>>
    tpu.wait_dma2 semaphore(%arg19 : memref<!tpu.dma_semaphore, #tpu.memory_space<semaphore_mem>>) src(%arg13 : memref<1600xf32, #tpu.memory_space<vmem>>) dst(%dma_wait3A_49 : memref<1600xf32, #tpu.memory_space<hbm>>)
    return
  }
}

#map = affine_map<(d0, d1) -> (0)>
#map1 = affine_map<(d0, d1) -> (0, 0)>
module attributes {stable_mosaic.version = 14 : i64} {
  func.func @k(%arg0: i32, %arg1: i32, %arg2: memref<2000000xi32, #tpu.memory_space<hbm>>, %arg3: memref<2000000xi32, #tpu.memory_space<hbm>>, %arg4: memref<1000000x16xf32, #tpu.memory_space<hbm>>, %arg5: memref<1000000x16xf32, #tpu.memory_space<hbm>>, %arg6: memref<2000000x16xf32, #tpu.memory_space<hbm>>, %arg7: memref<992xi32, #tpu.memory_space<vmem>>, %arg8: memref<992xi32, #tpu.memory_space<vmem>>, %arg9: memref<992xi32, #tpu.memory_space<vmem>>, %arg10: memref<992xi32, #tpu.memory_space<vmem>>, %arg11: memref<992x16xf32, #tpu.memory_space<vmem>>, %arg12: memref<992x16xf32, #tpu.memory_space<vmem>>, %arg13: memref<992x16xf32, #tpu.memory_space<vmem>>, %arg14: memref<992x16xf32, #tpu.memory_space<vmem>>, %arg15: memref<992x16xf32, #tpu.memory_space<vmem>>, %arg16: memref<992x16xf32, #tpu.memory_space<vmem>>, %arg17: memref<!tpu.dma_semaphore, #tpu.memory_space<semaphore_mem>>, %arg18: memref<!tpu.dma_semaphore, #tpu.memory_space<semaphore_mem>>, %arg19: memref<!tpu.dma_semaphore, #tpu.memory_space<semaphore_mem>>, %arg20: memref<!tpu.dma_semaphore, #tpu.memory_space<semaphore_mem>>, %arg21: memref<!tpu.dma_semaphore, #tpu.memory_space<semaphore_mem>>, %arg22: memref<!tpu.dma_semaphore, #tpu.memory_space<semaphore_mem>>) attributes {dimension_semantics = [#tpu.dimension_semantics<core_parallel>, #tpu.dimension_semantics<subcore_parallel>], iteration_bounds = array<i64: 2, 16>, scalar_prefetch = 0 : i64, scratch_operands = 16 : i64, tpu.core_type = #tpu.core_type<sc_vector_subcore>, window_params = [{transform_indices = #map}, {transform_indices = #map}, {transform_indices = #map1}, {transform_indices = #map1}, {transform_indices = #map1}]} {
    %mul3A = arith.constant 2 : i32
    %mul3A_0 = arith.muli %arg1, %mul3A : i32
    %add3A = arith.addi %mul3A_0, %arg0 : i32
    %min3A = arith.constant 1 : i32
    %min3A_1 = arith.minsi %add3A, %min3A : i32
    %mul3A_2 = arith.constant 63 : i32
    %mul3A_3 = arith.muli %add3A, %mul3A_2 : i32
    %add3A_4 = arith.addi %mul3A_3, %min3A_1 : i32
    %lt3A = arith.constant 1 : i32
    %lt3A_5 = arith.cmpi slt, %add3A, %lt3A : i32
    %jit3A = arith.constant 1 : i32
    %jit3A_6 = arith.constant 0 : i32
    %select_n3A = arith.select %lt3A_5, %jit3A, %jit3A_6 : i32
    %add3A_7 = arith.constant 63 : i32
    %add3A_8 = arith.addi %add3A_7, %select_n3A : i32
    %mul3A_9 = arith.constant 992 : i32
    %mul3A_10 = arith.muli %add3A_4, %mul3A_9 : i32
    %min3A_11 = arith.constant 1999008 : i32
    %min3A_12 = arith.minsi %mul3A_10, %min3A_11 : i32
    %dma_start3A = tpu.memref_slice %arg2[%min3A_12] : memref<2000000xi32, #tpu.memory_space<hbm>> -> memref<992xi32, #tpu.memory_space<hbm>>
    %dma_start3A_13 = tpu.memref_slice %arg2[%min3A_12] : memref<2000000xi32, #tpu.memory_space<hbm>> -> memref<992xi32, #tpu.memory_space<hbm>>
    tpu.enqueue_dma source(%dma_start3A_13 : memref<992xi32, #tpu.memory_space<hbm>>) target(%arg7 : memref<992xi32, #tpu.memory_space<vmem>>) target_semaphore(%arg17 : memref<!tpu.dma_semaphore, #tpu.memory_space<semaphore_mem>>)
    %dma_start3A_14 = tpu.memref_slice %arg3[%min3A_12] : memref<2000000xi32, #tpu.memory_space<hbm>> -> memref<992xi32, #tpu.memory_space<hbm>>
    %dma_start3A_15 = tpu.memref_slice %arg3[%min3A_12] : memref<2000000xi32, #tpu.memory_space<hbm>> -> memref<992xi32, #tpu.memory_space<hbm>>
    tpu.enqueue_dma source(%dma_start3A_15 : memref<992xi32, #tpu.memory_space<hbm>>) target(%arg8 : memref<992xi32, #tpu.memory_space<vmem>>) target_semaphore(%arg17 : memref<!tpu.dma_semaphore, #tpu.memory_space<semaphore_mem>>)
    %dma_wait3A = arith.constant 0 : i32
    %dma_wait3A_16 = tpu.memref_slice %arg2[%dma_wait3A] : memref<2000000xi32, #tpu.memory_space<hbm>> -> memref<992xi32, #tpu.memory_space<hbm>>
    %dma_wait3A_17 = arith.constant 0 : i32
    %dma_wait3A_18 = tpu.memref_slice %arg2[%dma_wait3A_17] : memref<2000000xi32, #tpu.memory_space<hbm>> -> memref<992xi32, #tpu.memory_space<hbm>>
    tpu.wait_dma2 semaphore(%arg17 : memref<!tpu.dma_semaphore, #tpu.memory_space<semaphore_mem>>) src(%dma_wait3A_18 : memref<992xi32, #tpu.memory_space<hbm>>) dst(%arg7 : memref<992xi32, #tpu.memory_space<vmem>>)
    %dma_wait3A_19 = arith.constant 0 : i32
    %dma_wait3A_20 = tpu.memref_slice %arg3[%dma_wait3A_19] : memref<2000000xi32, #tpu.memory_space<hbm>> -> memref<992xi32, #tpu.memory_space<hbm>>
    %dma_wait3A_21 = arith.constant 0 : i32
    %dma_wait3A_22 = tpu.memref_slice %arg3[%dma_wait3A_21] : memref<2000000xi32, #tpu.memory_space<hbm>> -> memref<992xi32, #tpu.memory_space<hbm>>
    tpu.wait_dma2 semaphore(%arg17 : memref<!tpu.dma_semaphore, #tpu.memory_space<semaphore_mem>>) src(%dma_wait3A_22 : memref<992xi32, #tpu.memory_space<hbm>>) dst(%arg8 : memref<992xi32, #tpu.memory_space<vmem>>)
    %dma_start3A_23 = arith.constant 0 : i32
    %dma_start3A_24 = arith.constant 0 : i32
    %dma_start3A_25 = tpu.memref_slice %arg4[%dma_start3A_23, %dma_start3A_24] : memref<1000000x16xf32, #tpu.memory_space<hbm>> -> memref<1000000x16xf32, #tpu.memory_space<hbm>>
    tpu.enqueue_indirect_dma source(%dma_start3A_25 : memref<1000000x16xf32, #tpu.memory_space<hbm>>) target(%arg11 : memref<992x16xf32, #tpu.memory_space<vmem>>) offsets(%arg7 : memref<992xi32, #tpu.memory_space<vmem>>) semaphore(%arg19 : memref<!tpu.dma_semaphore, #tpu.memory_space<semaphore_mem>>)
    %dma_start3A_26 = arith.constant 0 : i32
    %dma_start3A_27 = arith.constant 0 : i32
    %dma_start3A_28 = tpu.memref_slice %arg5[%dma_start3A_26, %dma_start3A_27] : memref<1000000x16xf32, #tpu.memory_space<hbm>> -> memref<1000000x16xf32, #tpu.memory_space<hbm>>
    tpu.enqueue_indirect_dma source(%dma_start3A_28 : memref<1000000x16xf32, #tpu.memory_space<hbm>>) target(%arg12 : memref<992x16xf32, #tpu.memory_space<vmem>>) offsets(%arg8 : memref<992xi32, #tpu.memory_space<vmem>>) semaphore(%arg19 : memref<!tpu.dma_semaphore, #tpu.memory_space<semaphore_mem>>)
    %add3A_29 = arith.constant 1 : i32
    %add3A_30 = arith.addi %add3A_4, %add3A_29 : i32
    %mul3A_31 = arith.constant 992 : i32
    %mul3A_32 = arith.muli %add3A_30, %mul3A_31 : i32
    %min3A_33 = arith.constant 1999008 : i32
    %min3A_34 = arith.minsi %mul3A_32, %min3A_33 : i32
    %dma_start3A_35 = tpu.memref_slice %arg2[%min3A_34] : memref<2000000xi32, #tpu.memory_space<hbm>> -> memref<992xi32, #tpu.memory_space<hbm>>
    %dma_start3A_36 = tpu.memref_slice %arg2[%min3A_34] : memref<2000000xi32, #tpu.memory_space<hbm>> -> memref<992xi32, #tpu.memory_space<hbm>>
    tpu.enqueue_dma source(%dma_start3A_36 : memref<992xi32, #tpu.memory_space<hbm>>) target(%arg9 : memref<992xi32, #tpu.memory_space<vmem>>) target_semaphore(%arg18 : memref<!tpu.dma_semaphore, #tpu.memory_space<semaphore_mem>>)
    %dma_start3A_37 = tpu.memref_slice %arg3[%min3A_34] : memref<2000000xi32, #tpu.memory_space<hbm>> -> memref<992xi32, #tpu.memory_space<hbm>>
    %dma_start3A_38 = tpu.memref_slice %arg3[%min3A_34] : memref<2000000xi32, #tpu.memory_space<hbm>> -> memref<992xi32, #tpu.memory_space<hbm>>
    tpu.enqueue_dma source(%dma_start3A_38 : memref<992xi32, #tpu.memory_space<hbm>>) target(%arg10 : memref<992xi32, #tpu.memory_space<vmem>>) target_semaphore(%arg18 : memref<!tpu.dma_semaphore, #tpu.memory_space<semaphore_mem>>)
    %scan3A = arith.constant 0 : i32
    %scan3A_39 = arith.constant 0 : i32
    %scan3A_40 = arith.constant 32 : i32
    %scan3A_41 = arith.addi %scan3A_39, %scan3A_40 : i32
    %scan3A_42 = arith.constant 1 : i32
    %scan3A_43 = scf.for %scan3A_57 = %scan3A_39 to %scan3A_41 step %scan3A_42 iter_args(%scan3A_58 = %scan3A) -> (i32)  : i32 {
      %mul3A_59 = arith.constant 2 : i32
      %mul3A_60 = arith.muli %scan3A_57, %mul3A_59 : i32
      %lt3A_61 = arith.cmpi slt, %mul3A_60, %add3A_8 : i32
      %convert_element_type3A = arith.extui %lt3A_61 : i1 to i32
      %cond3A = arith.constant 0 : i32
      %cond3A_62 = arith.cmpi ne, %convert_element_type3A, %cond3A : i32
      scf.if %cond3A_62 {
        %dma_wait3A_70 = arith.constant 0 : i32
        %dma_wait3A_71 = arith.constant 0 : i32
        %dma_wait3A_72 = tpu.memref_slice %arg4[%dma_wait3A_70, %dma_wait3A_71] : memref<1000000x16xf32, #tpu.memory_space<hbm>> -> memref<1000000x16xf32, #tpu.memory_space<hbm>>
        tpu.wait_indirect_dma semaphore(%arg19 : memref<!tpu.dma_semaphore, #tpu.memory_space<semaphore_mem>>) src(%dma_wait3A_72 : memref<1000000x16xf32, #tpu.memory_space<hbm>>) dst(%arg11 : memref<992x16xf32, #tpu.memory_space<vmem>>)
        %dma_wait3A_73 = arith.constant 0 : i32
        %dma_wait3A_74 = arith.constant 0 : i32
        %dma_wait3A_75 = tpu.memref_slice %arg5[%dma_wait3A_73, %dma_wait3A_74] : memref<1000000x16xf32, #tpu.memory_space<hbm>> -> memref<1000000x16xf32, #tpu.memory_space<hbm>>
        tpu.wait_indirect_dma semaphore(%arg19 : memref<!tpu.dma_semaphore, #tpu.memory_space<semaphore_mem>>) src(%dma_wait3A_75 : memref<1000000x16xf32, #tpu.memory_space<hbm>>) dst(%arg12 : memref<992x16xf32, #tpu.memory_space<vmem>>)
        %add3A_76 = arith.constant 1 : i32
        %add3A_77 = arith.addi %mul3A_60, %add3A_76 : i32
        %lt3A_78 = arith.cmpi slt, %add3A_77, %add3A_8 : i32
        %convert_element_type3A_79 = arith.extui %lt3A_78 : i1 to i32
        %cond3A_80 = arith.constant 0 : i32
        %cond3A_81 = arith.cmpi ne, %convert_element_type3A_79, %cond3A_80 : i32
        scf.if %cond3A_81 {
          %dma_wait3A_103 = arith.constant 0 : i32
          %dma_wait3A_104 = tpu.memref_slice %arg2[%dma_wait3A_103] : memref<2000000xi32, #tpu.memory_space<hbm>> -> memref<992xi32, #tpu.memory_space<hbm>>
          %dma_wait3A_105 = arith.constant 0 : i32
          %dma_wait3A_106 = tpu.memref_slice %arg2[%dma_wait3A_105] : memref<2000000xi32, #tpu.memory_space<hbm>> -> memref<992xi32, #tpu.memory_space<hbm>>
          tpu.wait_dma2 semaphore(%arg18 : memref<!tpu.dma_semaphore, #tpu.memory_space<semaphore_mem>>) src(%dma_wait3A_106 : memref<992xi32, #tpu.memory_space<hbm>>) dst(%arg9 : memref<992xi32, #tpu.memory_space<vmem>>)
          %dma_wait3A_107 = arith.constant 0 : i32
          %dma_wait3A_108 = tpu.memref_slice %arg3[%dma_wait3A_107] : memref<2000000xi32, #tpu.memory_space<hbm>> -> memref<992xi32, #tpu.memory_space<hbm>>
          %dma_wait3A_109 = arith.constant 0 : i32
          %dma_wait3A_110 = tpu.memref_slice %arg3[%dma_wait3A_109] : memref<2000000xi32, #tpu.memory_space<hbm>> -> memref<992xi32, #tpu.memory_space<hbm>>
          tpu.wait_dma2 semaphore(%arg18 : memref<!tpu.dma_semaphore, #tpu.memory_space<semaphore_mem>>) src(%dma_wait3A_110 : memref<992xi32, #tpu.memory_space<hbm>>) dst(%arg10 : memref<992xi32, #tpu.memory_space<vmem>>)
          %dma_start3A_111 = arith.constant 0 : i32
          %dma_start3A_112 = arith.constant 0 : i32
          %dma_start3A_113 = tpu.memref_slice %arg4[%dma_start3A_111, %dma_start3A_112] : memref<1000000x16xf32, #tpu.memory_space<hbm>> -> memref<1000000x16xf32, #tpu.memory_space<hbm>>
          tpu.enqueue_indirect_dma source(%dma_start3A_113 : memref<1000000x16xf32, #tpu.memory_space<hbm>>) target(%arg13 : memref<992x16xf32, #tpu.memory_space<vmem>>) offsets(%arg9 : memref<992xi32, #tpu.memory_space<vmem>>) semaphore(%arg20 : memref<!tpu.dma_semaphore, #tpu.memory_space<semaphore_mem>>)
          %dma_start3A_114 = arith.constant 0 : i32
          %dma_start3A_115 = arith.constant 0 : i32
          %dma_start3A_116 = tpu.memref_slice %arg5[%dma_start3A_114, %dma_start3A_115] : memref<1000000x16xf32, #tpu.memory_space<hbm>> -> memref<1000000x16xf32, #tpu.memory_space<hbm>>
          tpu.enqueue_indirect_dma source(%dma_start3A_116 : memref<1000000x16xf32, #tpu.memory_space<hbm>>) target(%arg14 : memref<992x16xf32, #tpu.memory_space<vmem>>) offsets(%arg10 : memref<992xi32, #tpu.memory_space<vmem>>) semaphore(%arg20 : memref<!tpu.dma_semaphore, #tpu.memory_space<semaphore_mem>>)
        } else {
        }
        %add3A_82 = arith.constant 2 : i32
        %add3A_83 = arith.addi %mul3A_60, %add3A_82 : i32
        %lt3A_84 = arith.cmpi slt, %add3A_83, %add3A_8 : i32
        %convert_element_type3A_85 = arith.extui %lt3A_84 : i1 to i32
        %cond3A_86 = arith.constant 0 : i32
        %cond3A_87 = arith.cmpi ne, %convert_element_type3A_85, %cond3A_86 : i32
        scf.if %cond3A_87 {
          %add3A_103 = arith.addi %add3A_4, %mul3A_60 : i32
          %add3A_104 = arith.constant 2 : i32
          %add3A_105 = arith.addi %add3A_103, %add3A_104 : i32
          %mul3A_106 = arith.constant 992 : i32
          %mul3A_107 = arith.muli %add3A_105, %mul3A_106 : i32
          %min3A_108 = arith.constant 1999008 : i32
          %min3A_109 = arith.minsi %mul3A_107, %min3A_108 : i32
          %dma_start3A_110 = tpu.memref_slice %arg2[%min3A_109] : memref<2000000xi32, #tpu.memory_space<hbm>> -> memref<992xi32, #tpu.memory_space<hbm>>
          %dma_start3A_111 = tpu.memref_slice %arg2[%min3A_109] : memref<2000000xi32, #tpu.memory_space<hbm>> -> memref<992xi32, #tpu.memory_space<hbm>>
          tpu.enqueue_dma source(%dma_start3A_111 : memref<992xi32, #tpu.memory_space<hbm>>) target(%arg7 : memref<992xi32, #tpu.memory_space<vmem>>) target_semaphore(%arg17 : memref<!tpu.dma_semaphore, #tpu.memory_space<semaphore_mem>>)
          %dma_start3A_112 = tpu.memref_slice %arg3[%min3A_109] : memref<2000000xi32, #tpu.memory_space<hbm>> -> memref<992xi32, #tpu.memory_space<hbm>>
          %dma_start3A_113 = tpu.memref_slice %arg3[%min3A_109] : memref<2000000xi32, #tpu.memory_space<hbm>> -> memref<992xi32, #tpu.memory_space<hbm>>
          tpu.enqueue_dma source(%dma_start3A_113 : memref<992xi32, #tpu.memory_space<hbm>>) target(%arg8 : memref<992xi32, #tpu.memory_space<vmem>>) target_semaphore(%arg17 : memref<!tpu.dma_semaphore, #tpu.memory_space<semaphore_mem>>)
        } else {
        }
        %ge3A = arith.constant 2 : i32
        %ge3A_88 = arith.cmpi sge, %mul3A_60, %ge3A : i32
        %convert_element_type3A_89 = arith.extui %ge3A_88 : i1 to i32
        %cond3A_90 = arith.constant 0 : i32
        %cond3A_91 = arith.cmpi ne, %convert_element_type3A_89, %cond3A_90 : i32
        scf.if %cond3A_91 {
          %dma_wait3A_103 = arith.constant 0 : i32
          %dma_wait3A_104 = arith.constant 0 : i32
          %dma_wait3A_105 = tpu.memref_slice %arg6[%dma_wait3A_103, %dma_wait3A_104] : memref<2000000x16xf32, #tpu.memory_space<hbm>> -> memref<992x16xf32, #tpu.memory_space<hbm>>
          %dma_wait3A_106 = arith.constant 0 : i32
          %dma_wait3A_107 = arith.constant 0 : i32
          %dma_wait3A_108 = tpu.memref_slice %arg6[%dma_wait3A_106, %dma_wait3A_107] : memref<2000000x16xf32, #tpu.memory_space<hbm>> -> memref<992x16xf32, #tpu.memory_space<hbm>>
          tpu.wait_dma2 semaphore(%arg21 : memref<!tpu.dma_semaphore, #tpu.memory_space<semaphore_mem>>) src(%arg15 : memref<992x16xf32, #tpu.memory_space<vmem>>) dst(%dma_wait3A_108 : memref<992x16xf32, #tpu.memory_space<hbm>>)
        } else {
        }
        %parallel_loop3A = arith.constant 0 : i32
        %parallel_loop3A_92 = arith.constant 992 : i32
        %parallel_loop3A_93 = arith.constant 1 : i32
        scf.for %parallel_loop3A_103 = %parallel_loop3A to %parallel_loop3A_92 step %parallel_loop3A_93  : i32 {
          %parallel_loop3A_104 = arith.index_cast %parallel_loop3A_103 : i32 to index
          %parallel_loop3A_105 = arith.constant 0 : index
          %parallel_loop3A_106 = tpu.vector_load %arg11[%parallel_loop3A_104, %parallel_loop3A_105] {strides = array<i32>} : memref<992x16xf32, #tpu.memory_space<vmem>>, vector<16xf32>,
          %parallel_loop3A_107 = arith.index_cast %parallel_loop3A_103 : i32 to index
          %parallel_loop3A_108 = arith.constant 0 : index
          %parallel_loop3A_109 = tpu.vector_load %arg12[%parallel_loop3A_107, %parallel_loop3A_108] {strides = array<i32>} : memref<992x16xf32, #tpu.memory_space<vmem>>, vector<16xf32>,
          %parallel_loop3A_110 = arith.mulf %parallel_loop3A_106, %parallel_loop3A_109 : vector<16xf32>
          %parallel_loop3A_111 = arith.index_cast %parallel_loop3A_103 : i32 to index
          %parallel_loop3A_112 = arith.constant 0 : index
          %parallel_loop3A_113 = tpu.vector_load %arg15[%parallel_loop3A_111, %parallel_loop3A_112] {strides = array<i32>} : memref<992x16xf32, #tpu.memory_space<vmem>>, vector<16xf32>,
          tpu.vector_store %arg15[%parallel_loop3A_111, %parallel_loop3A_112], %parallel_loop3A_110 {strides = array<i32>} : memref<992x16xf32, #tpu.memory_space<vmem>>, vector<16xf32>,
        } {sc.loop_unroll_factor = 1 : i64, sc.parallel_access}
        %add3A_94 = arith.addi %add3A_4, %mul3A_60 : i32
        %mul3A_95 = arith.constant 992 : i32
        %mul3A_96 = arith.muli %add3A_94, %mul3A_95 : i32
        %min3A_97 = arith.constant 1999008 : i32
        %min3A_98 = arith.minsi %mul3A_96, %min3A_97 : i32
        %dma_start3A_99 = arith.constant 0 : i32
        %dma_start3A_100 = tpu.memref_slice %arg6[%min3A_98, %dma_start3A_99] : memref<2000000x16xf32, #tpu.memory_space<hbm>> -> memref<992x16xf32, #tpu.memory_space<hbm>>
        %dma_start3A_101 = arith.constant 0 : i32
        %dma_start3A_102 = tpu.memref_slice %arg6[%min3A_98, %dma_start3A_101] : memref<2000000x16xf32, #tpu.memory_space<hbm>> -> memref<992x16xf32, #tpu.memory_space<hbm>>
        tpu.enqueue_dma source(%arg15 : memref<992x16xf32, #tpu.memory_space<vmem>>) target(%dma_start3A_102 : memref<992x16xf32, #tpu.memory_space<hbm>>) target_semaphore(%arg21 : memref<!tpu.dma_semaphore, #tpu.memory_space<semaphore_mem>>)
      } else {
      }
      %add3A_63 = arith.constant 1 : i32
      %add3A_64 = arith.addi %mul3A_60, %add3A_63 : i32
      %lt3A_65 = arith.cmpi slt, %add3A_64, %add3A_8 : i32
      %convert_element_type3A_66 = arith.extui %lt3A_65 : i1 to i32
      %cond3A_67 = arith.constant 0 : i32
      %cond3A_68 = arith.cmpi ne, %convert_element_type3A_66, %cond3A_67 : i32
      scf.if %cond3A_68 {
        %add3A_70 = arith.constant 1 : i32
        %add3A_71 = arith.addi %mul3A_60, %add3A_70 : i32
        %dma_wait3A_72 = arith.constant 0 : i32
        %dma_wait3A_73 = arith.constant 0 : i32
        %dma_wait3A_74 = tpu.memref_slice %arg4[%dma_wait3A_72, %dma_wait3A_73] : memref<1000000x16xf32, #tpu.memory_space<hbm>> -> memref<1000000x16xf32, #tpu.memory_space<hbm>>
        tpu.wait_indirect_dma semaphore(%arg20 : memref<!tpu.dma_semaphore, #tpu.memory_space<semaphore_mem>>) src(%dma_wait3A_74 : memref<1000000x16xf32, #tpu.memory_space<hbm>>) dst(%arg13 : memref<992x16xf32, #tpu.memory_space<vmem>>)
        %dma_wait3A_75 = arith.constant 0 : i32
        %dma_wait3A_76 = arith.constant 0 : i32
        %dma_wait3A_77 = tpu.memref_slice %arg5[%dma_wait3A_75, %dma_wait3A_76] : memref<1000000x16xf32, #tpu.memory_space<hbm>> -> memref<1000000x16xf32, #tpu.memory_space<hbm>>
        tpu.wait_indirect_dma semaphore(%arg20 : memref<!tpu.dma_semaphore, #tpu.memory_space<semaphore_mem>>) src(%dma_wait3A_77 : memref<1000000x16xf32, #tpu.memory_space<hbm>>) dst(%arg14 : memref<992x16xf32, #tpu.memory_space<vmem>>)
        %add3A_78 = arith.constant 1 : i32
        %add3A_79 = arith.addi %add3A_71, %add3A_78 : i32
        %lt3A_80 = arith.cmpi slt, %add3A_79, %add3A_8 : i32
        %convert_element_type3A_81 = arith.extui %lt3A_80 : i1 to i32
        %cond3A_82 = arith.constant 0 : i32
        %cond3A_83 = arith.cmpi ne, %convert_element_type3A_81, %cond3A_82 : i32
        scf.if %cond3A_83 {
          %dma_wait3A_105 = arith.constant 0 : i32
          %dma_wait3A_106 = tpu.memref_slice %arg2[%dma_wait3A_105] : memref<2000000xi32, #tpu.memory_space<hbm>> -> memref<992xi32, #tpu.memory_space<hbm>>
          %dma_wait3A_107 = arith.constant 0 : i32
          %dma_wait3A_108 = tpu.memref_slice %arg2[%dma_wait3A_107] : memref<2000000xi32, #tpu.memory_space<hbm>> -> memref<992xi32, #tpu.memory_space<hbm>>
          tpu.wait_dma2 semaphore(%arg17 : memref<!tpu.dma_semaphore, #tpu.memory_space<semaphore_mem>>) src(%dma_wait3A_108 : memref<992xi32, #tpu.memory_space<hbm>>) dst(%arg7 : memref<992xi32, #tpu.memory_space<vmem>>)
          %dma_wait3A_109 = arith.constant 0 : i32
          %dma_wait3A_110 = tpu.memref_slice %arg3[%dma_wait3A_109] : memref<2000000xi32, #tpu.memory_space<hbm>> -> memref<992xi32, #tpu.memory_space<hbm>>
          %dma_wait3A_111 = arith.constant 0 : i32
          %dma_wait3A_112 = tpu.memref_slice %arg3[%dma_wait3A_111] : memref<2000000xi32, #tpu.memory_space<hbm>> -> memref<992xi32, #tpu.memory_space<hbm>>
          tpu.wait_dma2 semaphore(%arg17 : memref<!tpu.dma_semaphore, #tpu.memory_space<semaphore_mem>>) src(%dma_wait3A_112 : memref<992xi32, #tpu.memory_space<hbm>>) dst(%arg8 : memref<992xi32, #tpu.memory_space<vmem>>)
          %dma_start3A_113 = arith.constant 0 : i32
          %dma_start3A_114 = arith.constant 0 : i32
          %dma_start3A_115 = tpu.memref_slice %arg4[%dma_start3A_113, %dma_start3A_114] : memref<1000000x16xf32, #tpu.memory_space<hbm>> -> memref<1000000x16xf32, #tpu.memory_space<hbm>>
          tpu.enqueue_indirect_dma source(%dma_start3A_115 : memref<1000000x16xf32, #tpu.memory_space<hbm>>) target(%arg11 : memref<992x16xf32, #tpu.memory_space<vmem>>) offsets(%arg7 : memref<992xi32, #tpu.memory_space<vmem>>) semaphore(%arg19 : memref<!tpu.dma_semaphore, #tpu.memory_space<semaphore_mem>>)
          %dma_start3A_116 = arith.constant 0 : i32
          %dma_start3A_117 = arith.constant 0 : i32
          %dma_start3A_118 = tpu.memref_slice %arg5[%dma_start3A_116, %dma_start3A_117] : memref<1000000x16xf32, #tpu.memory_space<hbm>> -> memref<1000000x16xf32, #tpu.memory_space<hbm>>
          tpu.enqueue_indirect_dma source(%dma_start3A_118 : memref<1000000x16xf32, #tpu.memory_space<hbm>>) target(%arg12 : memref<992x16xf32, #tpu.memory_space<vmem>>) offsets(%arg8 : memref<992xi32, #tpu.memory_space<vmem>>) semaphore(%arg19 : memref<!tpu.dma_semaphore, #tpu.memory_space<semaphore_mem>>)
        } else {
        }
        %add3A_84 = arith.constant 2 : i32
        %add3A_85 = arith.addi %add3A_71, %add3A_84 : i32
        %lt3A_86 = arith.cmpi slt, %add3A_85, %add3A_8 : i32
        %convert_element_type3A_87 = arith.extui %lt3A_86 : i1 to i32
        %cond3A_88 = arith.constant 0 : i32
        %cond3A_89 = arith.cmpi ne, %convert_element_type3A_87, %cond3A_88 : i32
        scf.if %cond3A_89 {
          %add3A_105 = arith.addi %add3A_4, %add3A_71 : i32
          %add3A_106 = arith.constant 2 : i32
          %add3A_107 = arith.addi %add3A_105, %add3A_106 : i32
          %mul3A_108 = arith.constant 992 : i32
          %mul3A_109 = arith.muli %add3A_107, %mul3A_108 : i32
          %min3A_110 = arith.constant 1999008 : i32
          %min3A_111 = arith.minsi %mul3A_109, %min3A_110 : i32
          %dma_start3A_112 = tpu.memref_slice %arg2[%min3A_111] : memref<2000000xi32, #tpu.memory_space<hbm>> -> memref<992xi32, #tpu.memory_space<hbm>>
          %dma_start3A_113 = tpu.memref_slice %arg2[%min3A_111] : memref<2000000xi32, #tpu.memory_space<hbm>> -> memref<992xi32, #tpu.memory_space<hbm>>
          tpu.enqueue_dma source(%dma_start3A_113 : memref<992xi32, #tpu.memory_space<hbm>>) target(%arg9 : memref<992xi32, #tpu.memory_space<vmem>>) target_semaphore(%arg18 : memref<!tpu.dma_semaphore, #tpu.memory_space<semaphore_mem>>)
          %dma_start3A_114 = tpu.memref_slice %arg3[%min3A_111] : memref<2000000xi32, #tpu.memory_space<hbm>> -> memref<992xi32, #tpu.memory_space<hbm>>
          %dma_start3A_115 = tpu.memref_slice %arg3[%min3A_111] : memref<2000000xi32, #tpu.memory_space<hbm>> -> memref<992xi32, #tpu.memory_space<hbm>>
          tpu.enqueue_dma source(%dma_start3A_115 : memref<992xi32, #tpu.memory_space<hbm>>) target(%arg10 : memref<992xi32, #tpu.memory_space<vmem>>) target_semaphore(%arg18 : memref<!tpu.dma_semaphore, #tpu.memory_space<semaphore_mem>>)
        } else {
        }
        %ge3A = arith.constant 2 : i32
        %ge3A_90 = arith.cmpi sge, %add3A_71, %ge3A : i32
        %convert_element_type3A_91 = arith.extui %ge3A_90 : i1 to i32
        %cond3A_92 = arith.constant 0 : i32
        %cond3A_93 = arith.cmpi ne, %convert_element_type3A_91, %cond3A_92 : i32
        scf.if %cond3A_93 {
          %dma_wait3A_105 = arith.constant 0 : i32
          %dma_wait3A_106 = arith.constant 0 : i32
          %dma_wait3A_107 = tpu.memref_slice %arg6[%dma_wait3A_105, %dma_wait3A_106] : memref<2000000x16xf32, #tpu.memory_space<hbm>> -> memref<992x16xf32, #tpu.memory_space<hbm>>
          %dma_wait3A_108 = arith.constant 0 : i32
          %dma_wait3A_109 = arith.constant 0 : i32
          %dma_wait3A_110 = tpu.memref_slice %arg6[%dma_wait3A_108, %dma_wait3A_109] : memref<2000000x16xf32, #tpu.memory_space<hbm>> -> memref<992x16xf32, #tpu.memory_space<hbm>>
          tpu.wait_dma2 semaphore(%arg22 : memref<!tpu.dma_semaphore, #tpu.memory_space<semaphore_mem>>) src(%arg16 : memref<992x16xf32, #tpu.memory_space<vmem>>) dst(%dma_wait3A_110 : memref<992x16xf32, #tpu.memory_space<hbm>>)
        } else {
        }
        %parallel_loop3A = arith.constant 0 : i32
        %parallel_loop3A_94 = arith.constant 992 : i32
        %parallel_loop3A_95 = arith.constant 1 : i32
        scf.for %parallel_loop3A_105 = %parallel_loop3A to %parallel_loop3A_94 step %parallel_loop3A_95  : i32 {
          %parallel_loop3A_106 = arith.index_cast %parallel_loop3A_105 : i32 to index
          %parallel_loop3A_107 = arith.constant 0 : index
          %parallel_loop3A_108 = tpu.vector_load %arg13[%parallel_loop3A_106, %parallel_loop3A_107] {strides = array<i32>} : memref<992x16xf32, #tpu.memory_space<vmem>>, vector<16xf32>,
          %parallel_loop3A_109 = arith.index_cast %parallel_loop3A_105 : i32 to index
          %parallel_loop3A_110 = arith.constant 0 : index
          %parallel_loop3A_111 = tpu.vector_load %arg14[%parallel_loop3A_109, %parallel_loop3A_110] {strides = array<i32>} : memref<992x16xf32, #tpu.memory_space<vmem>>, vector<16xf32>,
          %parallel_loop3A_112 = arith.mulf %parallel_loop3A_108, %parallel_loop3A_111 : vector<16xf32>
          %parallel_loop3A_113 = arith.index_cast %parallel_loop3A_105 : i32 to index
          %parallel_loop3A_114 = arith.constant 0 : index
          %parallel_loop3A_115 = tpu.vector_load %arg16[%parallel_loop3A_113, %parallel_loop3A_114] {strides = array<i32>} : memref<992x16xf32, #tpu.memory_space<vmem>>, vector<16xf32>,
          tpu.vector_store %arg16[%parallel_loop3A_113, %parallel_loop3A_114], %parallel_loop3A_112 {strides = array<i32>} : memref<992x16xf32, #tpu.memory_space<vmem>>, vector<16xf32>,
        } {sc.loop_unroll_factor = 1 : i64, sc.parallel_access}
        %add3A_96 = arith.addi %add3A_4, %add3A_71 : i32
        %mul3A_97 = arith.constant 992 : i32
        %mul3A_98 = arith.muli %add3A_96, %mul3A_97 : i32
        %min3A_99 = arith.constant 1999008 : i32
        %min3A_100 = arith.minsi %mul3A_98, %min3A_99 : i32
        %dma_start3A_101 = arith.constant 0 : i32
        %dma_start3A_102 = tpu.memref_slice %arg6[%min3A_100, %dma_start3A_101] : memref<2000000x16xf32, #tpu.memory_space<hbm>> -> memref<992x16xf32, #tpu.memory_space<hbm>>
        %dma_start3A_103 = arith.constant 0 : i32
        %dma_start3A_104 = tpu.memref_slice %arg6[%min3A_100, %dma_start3A_103] : memref<2000000x16xf32, #tpu.memory_space<hbm>> -> memref<992x16xf32, #tpu.memory_space<hbm>>
        tpu.enqueue_dma source(%arg16 : memref<992x16xf32, #tpu.memory_space<vmem>>) target(%dma_start3A_104 : memref<992x16xf32, #tpu.memory_space<hbm>>) target_semaphore(%arg22 : memref<!tpu.dma_semaphore, #tpu.memory_space<semaphore_mem>>)
      } else {
      }
      %scan3A_69 = arith.constant 0 : i32
      scf.yield %scan3A_69 : i32
    }
    %scan3A_44 = arith.constant 32 : i32
    %dma_wait3A_45 = arith.constant 0 : i32
    %dma_wait3A_46 = arith.constant 0 : i32
    %dma_wait3A_47 = tpu.memref_slice %arg6[%dma_wait3A_45, %dma_wait3A_46] : memref<2000000x16xf32, #tpu.memory_space<hbm>> -> memref<992x16xf32, #tpu.memory_space<hbm>>
    %dma_wait3A_48 = arith.constant 0 : i32
    %dma_wait3A_49 = arith.constant 0 : i32
    %dma_wait3A_50 = tpu.memref_slice %arg6[%dma_wait3A_48, %dma_wait3A_49] : memref<2000000x16xf32, #tpu.memory_space<hbm>> -> memref<992x16xf32, #tpu.memory_space<hbm>>
    tpu.wait_dma2 semaphore(%arg21 : memref<!tpu.dma_semaphore, #tpu.memory_space<semaphore_mem>>) src(%arg15 : memref<992x16xf32, #tpu.memory_space<vmem>>) dst(%dma_wait3A_50 : memref<992x16xf32, #tpu.memory_space<hbm>>)
    %dma_wait3A_51 = arith.constant 0 : i32
    %dma_wait3A_52 = arith.constant 0 : i32
    %dma_wait3A_53 = tpu.memref_slice %arg6[%dma_wait3A_51, %dma_wait3A_52] : memref<2000000x16xf32, #tpu.memory_space<hbm>> -> memref<992x16xf32, #tpu.memory_space<hbm>>
    %dma_wait3A_54 = arith.constant 0 : i32
    %dma_wait3A_55 = arith.constant 0 : i32
    %dma_wait3A_56 = tpu.memref_slice %arg6[%dma_wait3A_54, %dma_wait3A_55] : memref<2000000x16xf32, #tpu.memory_space<hbm>> -> memref<992x16xf32, #tpu.memory_space<hbm>>
    tpu.wait_dma2 semaphore(%arg22 : memref<!tpu.dma_semaphore, #tpu.memory_space<semaphore_mem>>) src(%arg16 : memref<992x16xf32, #tpu.memory_space<vmem>>) dst(%dma_wait3A_56 : memref<992x16xf32, #tpu.memory_space<hbm>>)
    return
  }
}

</mosaic_0001>

<sc_bundles>
// kernel: kernel.4.cloned.1.call-start
scs
__scs_entry_jumppad:
0x0: {  	(pc) =	sbr.rel $0x88, $3  }
0x1: {  	(tag) =	ssettag $0x0;
	lr =	simm.s32 $0x1  }
0x2: {  	[smem:$0x3F9D] =	sst lr;
	_ =	strace $0xD0000000  }
0x3: {  	_ = 	snop  }
0x4: {  	_ = 	snop  }
0x5: {  	_ = 	snop  }
0x6: {  	_ = 	snop  }
0x7: {  	_ = 	snop  }
__scs_overlays_trampoline_lowered:
0x8: {  	[smem:$0x3FAC] =	sst s0  }
0x9: {  	[smem:$0x3FAD] =	sst s1  }
0xa: {  	[smem:$0x3FAE] =	sst s2  }
0xb: {  	[smem:$0x3FAF] =	sst s3  }
0xc: {  	[smem:$0x3FB0] =	sst s4  }
0xd: {  	[smem:$0x3FB1] =	sst s5  }
0xe: {  	[smem:$0x3FB2] =	sst s6  }
0xf: {  	[smem:$0x3FB3] =	sst s7  }
0x10: {  	[smem:$0x3FB4] =	sst s8  }
0x11: {  	[smem:$0x3FB5] =	sst s9;
	s0 =	simm.s32 @!p0 $0x0  }
0x12: {  	s1 =	sld [smem:$0x3F9B];
	s0 =	simm.s32 @p0 $0x1  }
0x13: {  	[smem:$0x3FB6] =	sst s0;
	s0 =	simm.s32 @!p1 $0x0  }
0x14: {  	s2 =	sld [smem:$0x3F9A];
	s0 =	simm.s32 @p1 $0x1  }
0x15: {  	[smem:$0x3FB7] =	sst s0;
	s0 =	simm.s32 @!p2 $0x0  }
0x16: {  	s3 =	sld [smem:$0x3FDB];
	s0 =	simm.s32 @p2 $0x1  }
0x17: {  	s4 =	simm.s32 $0x1BF5;
	[smem:$0x3FB9] =	sst s0  }
0x18: {  	s0 =	sld [smem:$0x3F9C];
	_ =	swait.ge [sflag:s4], $0x0  }
0x19: {  	s7 =	sld [smem:$0x3F9D]  }
0x1a: {  	s8 =	sadd.s32 $0xFFFFE003, lr  }
0x1b: {  	s9 =	sadd.s32 $0xFFFFFEF7, lr;
	s5 =	simm.s32 $0xFFFFFFFF;
	p2 =	slt.u32 s8, $0xFFFFF086  }
0x1c: {  	p1 =	slt.u32 s9, $0xF7A;
	s5 =	simm.s32 @!p2 $0x0  }
0x1d: {  	s5 =	simm.s32 @p1 $0x1;
	p0 =	seq.s32 s7, s2  }
0x1e: {  	s7 =	smul.u32 @!p0 $0xF7A, s2;
	p2 =	seq.s32 @!p0 s5, $0x0  }
0x1f: {  	s9 =	smul.u32 $0xF7A, s1;
	s8 =	simm.s32 @!p0 $0x1BF5;
	p2 =	por !p2, p0  }
0x20: {  	[sflag:s8] =	ssyncset.s32 @!p0 $0xFFFFF086;
	s6 =	sadd.s32 @!p0 s3, s7;
	s7 =	simm.s32 @!p0 $0x108  }
0x21: {  	s3 =	sadd.s32 s3, s9;
	s6 =	sadd.s32 @!p0 $0x88, s6;
	s7 =	simm.s32 @p2 $0x1082  }
0x22: {  	[simem:s7], [sflag:s8] =	dma.local @!p0 [hbm:s6], $0xF7A  }
0x23: {  	s9 =	sor.u32 $0xD0000000, s2;
	s6 =	simm.s32 $0x108;
	_ =	swait.ge @!p0 [sflag:s8], $0x0  }
0x24: {  	s3 =	sadd.s32 $0x88, s3;
	s6 =	simm.s32 @!p1 $0x1082;
	[sflag:s4] =	ssyncset.s32 $0xFFFFF086  }
0x25: {  	[simem:s6], [sflag:s4] =	dma.local [hbm:s3], $0xF7A  }
0x26: {  	[smem:$0x3F9D] =	sst s1;
	(tag) =	ssettag s2;
	_ =	strace s9  }
0x27: {  	s1 =	sld [smem:$0x3FAD]  }
0x28: {  	s2 =	sld [smem:$0x3FAE]  }
0x29: {  	s4 =	sld [smem:$0x3FB0]  }
0x2a: {  	p0 =	seq.s32 s5, $0x0;
	s5 =	sld [smem:$0x3FB1]  }
0x2b: {  	s6 =	sld [smem:$0x3FB2]  }
0x2c: {  	s7 =	sld [smem:$0x3FB3]  }
0x2d: {  	s3 =	simm.s32 $0x108;
	s8 =	sld [smem:$0x3FB4]  }
0x2e: {  	s3 =	simm.s32 @!p0 $0x1082;
	s9 =	sld [smem:$0x3FB5]  }
0x2f: {  	lr =	sadd.s32 s0, s3;
	s0 =	sld [smem:$0x3FAC]  }
0x30: {  	s3 =	sld [smem:$0x3FAF]  }
0x31: {  	[smem:$0x3FB8] =	sst s10  }
0x32: {  	s10 =	sld [smem:$0x3FB6];
	_ =	sdelay $0x3  }
0x33: {  	p0 =	seq.s32 s10, $0x1;
	s10 =	sld [smem:$0x3FB8];
	_ =	sdelay $0x3  }
0x34: {  	[smem:$0x3FB8] =	sst s10  }
0x35: {  	s10 =	sld [smem:$0x3FB7];
	_ =	sdelay $0x3  }
0x36: {  	p1 =	seq.s32 s10, $0x1;
	s10 =	sld [smem:$0x3FB8];
	_ =	sdelay $0x3  }
0x37: {  	[smem:$0x3FB8] =	sst s10  }
0x38: {  	s10 =	sld [smem:$0x3FB9]  }
0x39: {  	_ = 	snop;
	(pc) =	sbr.ind lr, $3  }
0x3a: {  	_ = 	snop  }
0x3b: {  	_ = 	snop  }
0x3c: {  	p2 =	seq.s32 s10, $0x1;
	s10 =	sld [smem:$0x3FB8]  }
0x3d: {  	_ =	shalt  }
0x3e: {  	_ =	shalt  }
0x3f: {  	_ =	shalt  }
0x40: {  	_ =	shalt  }
0x41: {  	_ =	shalt  }
0x42: {  	_ =	shalt  }
0x43: {  	_ =	shalt  }
0x44: {  	_ =	shalt  }
0x45: {  	_ =	shalt  }
0x46: {  	_ =	shalt  }
0x47: {  	_ =	shalt  }
0x48: {  	_ =	shalt  }
0x49: {  	_ =	shalt  }
0x4a: {  	_ =	shalt  }
0x4b: {  	_ =	shalt  }
0x4c: {  	_ =	shalt  }
0x4d: {  	_ =	shalt  }
0x4e: {  	_ =	shalt  }
0x4f: {  	_ =	shalt  }
0x50: {  	_ =	shalt  }
0x51: {  	_ =	shalt  }
0x52: {  	_ =	shalt  }
0x53: {  	_ =	shalt  }
0x54: {  	_ =	shalt  }
0x55: {  	_ =	shalt  }
0x56: {  	_ =	shalt  }
0x57: {  	_ =	shalt  }
0x58: {  	_ =	shalt  }
0x59: {  	_ =	shalt  }
0x5a: {  	_ =	shalt  }
0x5b: {  	_ =	shalt  }
0x5c: {  	_ =	shalt  }
0x5d: {  	_ =	shalt  }
0x5e: {  	_ =	shalt  }
0x5f: {  	_ =	shalt  }
0x60: {  	_ =	shalt  }
0x61: {  	_ =	shalt  }
0x62: {  	_ =	shalt  }
0x63: {  	_ =	shalt  }
0x64: {  	_ =	shalt  }
0x65: {  	_ =	shalt  }
0x66: {  	_ =	shalt  }
0x67: {  	_ =	shalt  }
0x68: {  	_ =	shalt  }
0x69: {  	_ =	shalt  }
0x6a: {  	_ =	shalt  }
0x6b: {  	_ =	shalt  }
0x6c: {  	_ =	shalt  }
0x6d: {  	_ =	shalt  }
0x6e: {  	_ =	shalt  }
0x6f: {  	_ =	shalt  }
0x70: {  	_ =	shalt  }
0x71: {  	_ =	shalt  }
0x72: {  	_ =	shalt  }
0x73: {  	_ =	shalt  }
0x74: {  	_ =	shalt  }
0x75: {  	_ =	shalt  }
0x76: {  	_ =	shalt  }
0x77: {  	_ =	shalt  }
0x78: {  	_ =	shalt  }
0x79: {  	_ =	shalt  }
0x7a: {  	_ =	shalt  }
0x7b: {  	_ =	shalt  }
0x7c: {  	_ =	shalt  }
0x7d: {  	_ =	shalt  }
0x7e: {  	_ =	shalt  }
0x7f: {  	_ =	shalt  }
0x80: {  	_ =	shalt  }
0x81: {  	_ =	shalt  }
0x82: {  	_ =	shalt  }
0x83: {  	_ =	shalt  }
0x84: {  	_ =	shalt  }
0x85: {  	_ =	shalt  }
0x86: {  	_ =	shalt  }
0x87: {  	_ =	shalt  }
.Lfunc_end0:
.L_simem_size_0:
called_computation_lowered:
.L_overlay_start_0:
0x88: {  	s2 =	sld [smem:$0x3FD9]  }
0x89: {  	s3 =	sld [smem:$0x3FFE];
	_ =	sdelay $0x1  }
0x8a: {  	s1 =	srdreg.scid  }
0x8b: {  	s0 =	sand.u32 $0x1, s1  }
0x8c: {  	s17 =	sshll.u32 s0, $0xA;
	s2 =	sadd.s32 s3, s2  }
0x8d: {  	s2 =	sadd.s32 s2, s17  }
0x8e: {  	[smem:$0x3FC4] =	sst s2  }
0x8f: {  	_ = 	snop  }
0x90: {  	s2 =	sld [smem:$0x3FD0];
	(tm) =	ssettm $0x1  }
0x91: {  	s18 =	sld [smem:$0x3FFB];
	_ =	sdelay $0x3  }
0x92: {  	_ =	strace s18  }
0x93: {  	s3 =	sld [smem:$0x3FFC];
	_ =	sdelay $0x3  }
0x94: {  	_ =	strace s3  }
0x95: {  	s3 =	sld [smem:$0x3FFD];
	_ =	sdelay $0x3  }
0x96: {  	_ =	strace s3  }
0x97: {  	_ =	strace $0x8FFFFFFF  }
0x98: {  	s19 =	sld [smem:$0x3FDB];
	_ =	sdelay $0x1  }
0x99: {  	s4 =	simm.s32 $_scs_section_size  }
0x9a: {  	s5 =	simm.s32 $_size__tile_overlayer_lowered;
	s6 =	simm.s32 $_tile_overlayer_lowered  }
0x9b: {  	s22 =	simm.s32 $0x1BFF;
	s21 =	sshll.u32 s6, $0x1;
	s3 =	sadd.s32 s4, s19  }
0x9c: {  	s7 =	simm.s32 $0x0;
	s20 =	sshll.u32 s5, $0x1;
	s5 =	sadd.s32 s21, s3  }
0x9d: {  	[timem:s7], [sflag:s22] =	dma.local [hbm:s5], s20  }
0x9e: {  	_ =	swait.ge [sflag:s22], s20  }
0x9f: {  	s4 =	ssub.s32 $0x0, s20;
	[sflag:s22] =	ssyncset.done $0x0  }
0xa0: {  	[sflag:s22] =	ssyncadd.s32 s4;
	_ =	sdelay $0x1  }
0xa1: {  	s23 =	simm.s32 $0x1B8B  }
0xa2: {  	_ =	swait.ge [sflag:s23], $0x1  }
0xa3: {  	[sflag:s23] =	ssyncset.done $0x0  }
0xa4: {  	s25 =	simm.s32 $0x1B8E;
	s24 =	sld [smem:$0x3FFE];
	[sflag:s23] =	ssyncadd.s32 $0xFFFFFFFF  }
0xa5: {  	s26 =	simm.s32 $execute0_lowered;
	[smem:$0x3FD2] =	sst s25  }
0xa6: {  	s5 =	sshll.u32 s26, $0x1;
	_ =	strace $0x80000046;
	[dreg:$0x1] =	wrdreg $0xFFFFFFFF  }
0xa7: {  	s28 =	simm.s32 $_size_execute0_lowered;
	s3 =	sadd.s32 s3, s5;
	[dreg:$0x0] =	wrdreg $0x0  }
0xa8: {  	s5 =	sshll.u32 s28, $0x1;
	[dreg:$0x2] =	wrdreg s3  }
0xa9: {  	[dreg:$0x3] =	wrdreg s5  }
0xaa: {  	[dreg:$0x4] =	wrdreg $0xC0  }
0xab: {  	_ =	task [dreg:s7], $0x5FFFF  }
0xac: {  	[dreg:$0x1] =	wrdreg $0xFFFFFFFF  }
0xad: {  	[dreg:$0x0] =	wrdreg $0x60  }
0xae: {  	[dreg:$0x2] =	wrdreg s24  }
0xaf: {  	[dreg:$0x3] =	wrdreg s2  }
0xb0: {  	[dreg:$0x4] =	wrdreg $0x9  }
0xb1: {  	_ =	task.clear_ibuf [dreg:s7], $0x5FFFF;
	_ =	strace $0x90000046  }
0xb2: {  	s29 =	simm.s32 $0x9;
	_ =	strace $0x80000048  }
0xb3: {  	_ =	swait.ge [sflag:s29], $0x1  }
0xb4: {  	[sflag:s29] =	ssyncadd.s32 $0xFFFFFFFF  }
0xb5: {  	_ =	strace $0x90000048  }
0xb6: {  	_ =	sfence  }
0xb7: {  	s30 =	sld [smem:$0x0];
	_ =	sdelay $0x2  }
0xb8: {  	s31 =	sshll.u32 s1, $0xD;
	s1 =	sshrl.u32 s1, $0x2  }
0xb9: {  	s3 =	sand.u32 $0x4000, s31;
	s1 =	sadd.s32 s1, s30  }
0xba: {  	s0 =	sor.u32 s3, s0;
	s1 =	sshll.u32 s1, $0x11  }
0xbb: {  	s0 =	sor.u32 s1, s0  }
0xbc: {  	s0 =	sadd.s32 $0x8F2B, s0  }
0xbd: {  	[sflag:s0] =	ssyncadd.remote.s32 $0x1  }
0xbe: {  	_ =	sfence.sel $0xFFFF  }
0xbf: {  	[dreg:$0x0] =	wrdreg $0xFFFFFFFF;
	(pc) =	sbr.abs _section_cstart, $3  }
0xc0: {  	[dreg:$0x1] =	wrdreg $0xFFFFFFFF  }
0xc1: {  	_ =	task.clear_ibuf [dreg:s7], $0x2FFFF;
	_ =	strace $0x9FFFFFFF  }
0xc2: {  	(tm) =	ssettm $0x7FFFFFFF  }
0xc3: {  	_ =	shalt  }
tec
execute0_lowered:
.L_overlay_start_1:
0x0: {  	(tag) =	ssettag $0x1  }
0x1: {  	s2 =	rddreg [dreg:$0x0]  }
0x2: {  	s3 =	rddreg [dreg:$0x1];
	s0 =	srdreg.scid  }
0x3: {  	s1 =	stileid.u32;
	s4 =	simm.s32 $0x0;
	s7 =	simm.s32 $0x1  }
0x4: {  	s10 =	simm.s32 $0x1;
	s19 =	simm.s32 $0x3E0;
	s24 =	simm.s32 $0x3  }
0x5: {  	s25 =	simm.s32 $0x10780;
	s28 =	simm.s32 $0x14580;
	s29 =	simm.s32 $0x5  }
0x6: {  	s30 =	simm.s32 $0x6;
	s0 =	sand.u32 $0x1, s0;
	s1 =	sshll.u32 s1, $0x1  }
0x7: {  	s31 =	simm.s32 $0x0;
	[smem:$0x7FF] =	sst s4;
	s1 =	sor.u32 s0, s1  }
0x8: {  	s0 =	ssub.s32 $0x2, s0;
	p0 =	sne.s32 s1, $0x0;
	s8 =	smul.u32 $0x3F, s1  }
0x9: {  	s5 =	sadd.s32 $0xFBC800, s2;
	s9 =	sshrl.u32 s0, $0x1;
	s7 =	simm.s32 @!p0 $0x0  }
0xa: {  	s6 =	sadd.s32 $0x11A4E00, s2;
	s0 =	ssub.s32 s0, s9;
	s7 =	sadd.s32 s7, s8  }
0xb: {  	p0 =	seq.s32 s1, $0x0;
	s9 =	simm.s32 $0x40;
	s11 =	smul.u32 $0x3E0, s7  }
.Ltmp0:
0xc: {  	_ =	strace $0x80000047;
	s9 =	simm.s32 @!p0 $0x3F;
	(pc) =	sbr.rel .LBB2_1-.Ltmp0, $4  }
0xd: {  	s8 =	sadd.s32 $0x7A400, s2;
	s18 =	smax.u32 s0, $0x1;
	s15 =	sadd.s32 $0xFFFFFFFF, s9  }
0xe: {  	s16 =	sadd.s32 $0xFFFFFFFE, s9;
	s17 =	sadd.s32 $0xFFFFFFFD, s9;
	s26 =	sshrl.u32 s11, $0x3  }
0xf: {  	s11 =	sadd.s32 s2, s26;
	s12 =	sadd.s32 s3, s26;
	s1 =	sadd.s32 $0x7C, s26  }
0x10: {  	s26 =	simm.s32 $0x4;
	s13 =	sadd.s32 s2, s1;
	s14 =	sadd.s32 s3, s1  }
.LBB2_11:
0x11: {  	s31 =	sadd.s32 $0x1, s31  }
0x12: {  	_ =	swait.ge [sflag:s29], $0x3E00;
	p0 =	sne.s32 s31, s18  }
.Ltmp1:
0x13: {  	[sflag:s29] =	ssyncset.done $0x0;
	(pc) =	sbr.rel @!p0 .LBB2_12-.Ltmp1, $4  }
0x14: {  	[sflag:s29] =	ssyncadd.s32 $0xFFFFC200  }
0x15: {  	_ =	swait.ge [sflag:s30], $0x3E00  }
0x16: {  	[sflag:s30] =	ssyncset.done $0x0  }
0x17: {  	[sflag:s30] =	ssyncadd.s32 $0xFFFFC200  }
.LBB2_1:
0x18: {  	[tilespmem:s4], [sflag:$0x1] =	stream.linear.gather [hbm4b:s11+s4], $0x3E0, $0x38;
	[tilespmem:$0x18380] =	vst v63  }
0x19: {  	_ = 	snop  }
0x1a: {  	[tilespmem:s19], [sflag:$0x1] =	stream.linear.gather [hbm4b:s12+s4], $0x3E0, $0x38;
	[tilespmem:$0x18380] =	vst v63  }
0x1b: {  	_ =	swait.ge [sflag:s10], $0x3E0  }
0x1c: {  	[sflag:s10] =	ssyncset.done $0x0  }
0x1d: {  	[sflag:s10] =	ssyncadd.s32 $0xFFFFFC20  }
0x1e: {  	_ =	swait.ge [sflag:s10], $0x3E0  }
0x1f: {  	[sflag:s10] =	ssyncset.done $0x0  }
0x20: {  	s0 =	simm.s32 $0xF80;
	[sflag:s10] =	ssyncadd.s32 $0xFFFFFC20  }
0x21: {  	[tilespmem:s0], [sflag:$0x3] =	stream.indirect.gather [hbm4b:s5+s19], $0x10, s4, s19, $0xb8;
	[tilespmem:$0x18380] =	vst v63  }
0x22: {  	s21 =	simm.s32 $0x4D80  }
0x23: {  	[tilespmem:s21], [sflag:$0x3] =	stream.indirect.gather [hbm4b:s6+s19], $0x10, s19, s19, $0xb8;
	[tilespmem:$0x18380] =	vst v63  }
.Ltmp2:
0x24: {  	_ = 	snop;
	(pc) =	sbr.rel .LBB2_2-.Ltmp2, $4  }
0x25: {  	s22 =	simm.s32 $0x7C0  }
0x26: {  	[tilespmem:s22], [sflag:$0x2] =	stream.linear.gather [hbm4b:s13+s4], $0x3E0, $0x38;
	[tilespmem:$0x18380] =	vst v63  }
0x27: {  	s23 =	simm.s32 $0xBA0;
	s0 =	simm.s32 $0x0  }
0x28: {  	[tilespmem:s23], [sflag:$0x2] =	stream.linear.gather [hbm4b:s14+s4], $0x3E0, $0x38;
	[tilespmem:$0x18380] =	vst v63  }
.LBB2_10:
0x29: {  	s0 =	sadd.s32 $0x1, s0  }
0x2a: {  	p0 =	sne.s32 s0, $0x20  }
.Ltmp3:
0x2b: {  	_ = 	snop;
	(pc) =	sbr.rel @!p0 .LBB2_11-.Ltmp3, $1  }
0x2c: {  	_ =	sdelay $0x3  }
.LBB2_2:
0x2d: {  	s1 =	sshll.u32 s0, $0x1  }
0x2e: {  	p0 =	sge.u32 s1, s9  }
.Ltmp4:
0x2f: {  	_ = 	snop;
	(pc) =	sbr.rel @p0 .LBB2_6-.Ltmp4, $1  }
0x30: {  	_ =	sdelay $0x3  }
0x31: {  	_ =	swait.ge [sflag:s24], $0x3E00  }
0x32: {  	[sflag:s24] =	ssyncset.done $0x0  }
0x33: {  	[sflag:s24] =	ssyncadd.s32 $0xFFFFC200  }
0x34: {  	_ =	swait.ge [sflag:s24], $0x3E00  }
0x35: {  	p0 =	sge.u32 s1, s15;
	[sflag:s24] =	ssyncset.done $0x0  }
0x36: {  	s20 =	simm.s32 @!p0 $0x2;
	[sflag:s24] =	ssyncadd.s32 $0xFFFFC200  }
0x37: {  	_ =	swait.ge @!p0 [sflag:s20], $0x3E0  }
0x38: {  	[sflag:s20] =	ssyncset.done @!p0 $0x0  }
0x39: {  	[sflag:s20] =	ssyncadd.s32 @!p0 $0xFFFFFC20  }
0x3a: {  	_ =	swait.ge @!p0 [sflag:s20], $0x3E0  }
0x3b: {  	p1 =	sge.u32 s1, s16;
	s21 =	simm.s32 @!p0 $0x7C0;
	[sflag:s20] =	ssyncset.done @!p0 $0x0  }
0x3c: {  	s22 =	simm.s32 @!p0 $0x8B80;
	[sflag:s20] =	ssyncadd.s32 @!p0 $0xFFFFFC20;
	s20 =	simm.s32 @!p0 $0x3E0  }
0x3d: {  	[tilespmem:s22], [sflag:$0x4] =	stream.indirect.gather @!p0 [hbm4b:s5+s20], $0x10, s21, s20, $0xb8;
	[tilespmem:$0x18380] =	vst v63  }
0x3e: {  	s21 =	sadd.s32 @!p1 s7, s1  }
0x3f: {  	s23 =	simm.s32 @!p0 $0xC980;
	s22 =	simm.s32 @!p0 $0xBA0;
	s21 =	smul.u32 @!p1 $0x3E0, s21  }
0x40: {  	[tilespmem:s23], [sflag:$0x4] =	stream.indirect.gather @!p0 [hbm4b:s6+s20], $0x10, s22, s20, $0xb8;
	[tilespmem:$0x18380] =	vst v63  }
0x41: {  	s20 =	smin.u32 @!p1 s21, $0x1E78E0  }
0x42: {  	s20 =	sshrl.u32 @!p1 s20, $0x3  }
0x43: {  	s20 =	sadd.s32 @!p1 $0xF8, s20  }
0x44: {  	s22 =	simm.s32 @!p1 $0x0;
	s21 =	sadd.s32 @!p1 s2, s20  }
0x45: {  	[tilespmem:s22], [sflag:$0x1] =	stream.linear.gather @!p1 [hbm4b:s21+s22], $0x3E0, $0x38;
	[tilespmem:$0x18380] =	vst v63  }
0x46: {  	p0 =	seq.s32 s0, $0x0;
	s20 =	sadd.s32 @!p1 s3, s20;
	s21 =	simm.s32 @!p1 $0x3E0  }
0x47: {  	[tilespmem:s21], [sflag:$0x1] =	stream.linear.gather @!p1 [hbm4b:s20+s22], $0x3E0, $0x38;
	[tilespmem:$0x18380] =	vst v63  }
0x48: {  	s20 =	simm.s32 @!p0 $0x5  }
0x49: {  	_ =	swait.ge @!p0 [sflag:s20], $0x3E00  }
0x4a: {  	[sflag:s20] =	ssyncset.done @!p0 $0x0  }
0x4b: {  	[sflag:s20] =	ssyncadd.s32 @!p0 $0xFFFFC200;
	s20 =	simm.s32 $0x0  }
0x4c: {  	v0 =	vld [tilespmem:s20+$0xF80]  }
0x4d: {  	s21 =	simm.s32 $0x40;
	v1 =	vld [tilespmem:s20+$0x4D80]  }
.LBB2_4:
0x4e: {  	_ = 	snop  }
0x4f: {  	p0 =	sne.s32 s21, $0xF7C0  }
.Ltmp5:
0x50: {  	_ = 	snop;
	(pc) =	sbr.rel @p0 .LBB2_4-.Ltmp5, $4  }
0x51: {  	_ = 	snop  }
0x52: {  	s22 =	sshra.s32 s21, $0x2;
	v2 =	vmul.f32 v1, v0  }
0x53: {  	v0 =	vld [tilespmem:s22+$0xF80]  }
0x54: {  	s21 =	sadd.s32 $0x40, s21;
	v1 =	vld [tilespmem:s22+$0x4D80];
	[tilespmem:s20+$0x10780] =	vst v2;
	s20 =	smov.u32 s22  }
0x55: {  	_ = 	snop  }
0x56: {  	s21 =	sadd.s32 s7, s1  }
0x57: {  	s21 =	smul.u32 $0x3E0, s21;
	_ =	sdelay $0x1  }
0x58: {  	s21 =	smin.u32 s21, $0x1E80A0;
	v0 =	vmul.f32 v1, v0  }
0x59: {  	s21 =	sshll.u32 s21, $0x1  }
0x5a: {  	s23 =	sadd.s32 s8, s21;
	[tilespmem:s20+$0x10780] =	vst v0  }
0x5b: {  	[hbm4b:s23+s4] =	stream.linear.scatter [tilespmem:s25], [sflag:$0x5], $0x3E00, $0x38;
	[tilespmem:$0x18380] =	vst v63  }
.LBB2_6:
0x5c: {  	s20 =	sor.u32 $0x1, s1  }
0x5d: {  	p0 =	sge.u32 s20, s9  }
.Ltmp6:
0x5e: {  	_ = 	snop;
	(pc) =	sbr.rel @p0 .LBB2_10-.Ltmp6, $1  }
0x5f: {  	_ =	sdelay $0x3  }
0x60: {  	_ =	swait.ge [sflag:s26], $0x3E00  }
0x61: {  	[sflag:s26] =	ssyncset.done $0x0  }
0x62: {  	[sflag:s26] =	ssyncadd.s32 $0xFFFFC200  }
0x63: {  	_ =	swait.ge [sflag:s26], $0x3E00  }
0x64: {  	p0 =	sge.u32 s1, s16;
	[sflag:s26] =	ssyncset.done $0x0  }
0x65: {  	s21 =	simm.s32 @!p0 $0x1;
	[sflag:s26] =	ssyncadd.s32 $0xFFFFC200  }
0x66: {  	p1 =	sge.u32 s1, s17;
	_ =	swait.ge @!p0 [sflag:s21], $0x3E0  }
0x67: {  	s1 =	sadd.s32 @!p1 s7, s20;
	[sflag:s21] =	ssyncset.done @!p0 $0x0  }
0x68: {  	s1 =	smul.u32 @!p1 $0x3E0, s1;
	[sflag:s21] =	ssyncadd.s32 @!p0 $0xFFFFFC20  }
0x69: {  	s22 =	simm.s32 @!p0 $0x0;
	_ =	swait.ge @!p0 [sflag:s21], $0x3E0  }
0x6a: {  	s23 =	simm.s32 @!p0 $0xF80;
	s1 =	smin.u32 @!p1 s1, $0x1E78E0;
	[sflag:s21] =	ssyncset.done @!p0 $0x0  }
0x6b: {  	s1 =	sshrl.u32 @!p1 s1, $0x3;
	[sflag:s21] =	ssyncadd.s32 @!p0 $0xFFFFFC20;
	s21 =	simm.s32 @!p0 $0x3E0  }
0x6c: {  	[tilespmem:s23], [sflag:$0x3] =	stream.indirect.gather @!p0 [hbm4b:s5+s21], $0x10, s22, s21, $0xb8;
	[tilespmem:$0x18380] =	vst v63  }
0x6d: {  	s1 =	sadd.s32 @!p1 $0xF8, s1;
	s22 =	simm.s32 @!p0 $0x4D80  }
0x6e: {  	[tilespmem:s22], [sflag:$0x3] =	stream.indirect.gather @!p0 [hbm4b:s6+s21], $0x10, s21, s21, $0xb8;
	[tilespmem:$0x18380] =	vst v63  }
0x6f: {  	s23 =	simm.s32 @!p1 $0x7C0;
	s21 =	sadd.s32 @!p1 s2, s1;
	s22 =	simm.s32 @!p1 $0x0  }
0x70: {  	[tilespmem:s23], [sflag:$0x2] =	stream.linear.gather @!p1 [hbm4b:s21+s22], $0x3E0, $0x38;
	[tilespmem:$0x18380] =	vst v63  }
0x71: {  	s1 =	sadd.s32 @!p1 s3, s1;
	p0 =	seq.s32 s0, $0x0;
	s21 =	simm.s32 @!p1 $0xBA0  }
0x72: {  	[tilespmem:s21], [sflag:$0x2] =	stream.linear.gather @!p1 [hbm4b:s1+s22], $0x3E0, $0x38;
	[tilespmem:$0x18380] =	vst v63  }
0x73: {  	s1 =	simm.s32 @!p0 $0x6  }
0x74: {  	_ =	swait.ge @!p0 [sflag:s1], $0x3E00  }
0x75: {  	[sflag:s1] =	ssyncset.done @!p0 $0x0  }
0x76: {  	[sflag:s1] =	ssyncadd.s32 @!p0 $0xFFFFC200;
	s1 =	simm.s32 $0x0  }
0x77: {  	v0 =	vld [tilespmem:s1+$0x8B80]  }
0x78: {  	s21 =	simm.s32 $0x40;
	v1 =	vld [tilespmem:s1+$0xC980]  }
.LBB2_8:
0x79: {  	_ = 	snop  }
0x7a: {  	p0 =	sne.s32 s21, $0xF7C0  }
.Ltmp7:
0x7b: {  	_ = 	snop;
	(pc) =	sbr.rel @p0 .LBB2_8-.Ltmp7, $4  }
0x7c: {  	_ = 	snop  }
0x7d: {  	s22 =	sshra.s32 s21, $0x2;
	v2 =	vmul.f32 v1, v0  }
0x7e: {  	v0 =	vld [tilespmem:s22+$0x8B80]  }
0x7f: {  	s21 =	sadd.s32 $0x40, s21;
	v1 =	vld [tilespmem:s22+$0xC980];
	[tilespmem:s1+$0x14580] =	vst v2;
	s1 =	smov.u32 s22  }
0x80: {  	_ = 	snop  }
0x81: {  	s20 =	sadd.s32 s7, s20  }
0x82: {  	s20 =	smul.u32 $0x3E0, s20  }
.Ltmp8:
0x83: {  	_ = 	snop;
	(pc) =	sbr.rel .LBB2_10-.Ltmp8, $4  }
0x84: {  	s20 =	smin.u32 s20, $0x1E80A0;
	v0 =	vmul.f32 v1, v0  }
0x85: {  	s20 =	sshll.u32 s20, $0x1  }
0x86: {  	s23 =	sadd.s32 s8, s20;
	[tilespmem:s1+$0x14580] =	vst v0  }
0x87: {  	[hbm4b:s23+s4] =	stream.linear.scatter [tilespmem:s28], [sflag:$0x6], $0x3E00, $0x38;
	[tilespmem:$0x18380] =	vst v63  }
.LBB2_12:
0x88: {  	_ =	sfence.sel $0x180000  }
0x89: {  	[bflag:$0x0] =	sbarrier.arrive $0xFFFF  }
0x8a: {  	_ =	strace $0x90000047  }
0x8b: {  	s0 =	stileid.u32;
	[bflag:$0x2] =	sbarrier.arrive $0xFFFF  }
0x8c: {  	p0 =	sne.s32 s0, $0x0;
	s0 =	rddreg [dreg:$0x2]  }
0x8d: {  	s0 =	sadd.s32 @!p0 $0x100000, s0  }
0x8e: {  	[sflag:s0] =	ssyncadd.tile.s32 @!p0 $0x1;
	_ =	shalt  }
.Lfunc_end2:
_tile_overlayer_lowered:
.L_overlay_start_2:
0x8f: {  	(tag) =	ssettag $0x2  }
0x90: {  	s0 =	rddreg [dreg:$0x0];
	s2 =	stileid.u32  }
0x91: {  	s1 =	rddreg [dreg:$0x1];
	p0 =	sne.s32 s2, $0x0  }
0x92: {  	s3 =	rddreg [dreg:$0x2];
	[bflag:$0x3] =	sbarrier.arrive $0xFFFF;
	s2 =	simm.s32 @!p0 $0x1C07  }
0x93: {  	[timem:s3], [sflag:s2] =	dma.local @!p0 [hbm:s0], s1  }
0x94: {  	s0 =	simm.s32 @!p0 $0x7  }
0x95: {  	_ =	swait.ge @!p0 [sflag:s0], s1  }
0x96: {  	s1 =	ssub.s32 @!p0 $0x0, s1;
	[sflag:s0] =	ssyncset.done @!p0 $0x0  }
0x97: {  	[sflag:s0] =	ssyncadd.s32 @!p0 s1  }
0x98: {  	[bflag:$0x3] =	sbarrier.arrive $0xFFFF  }
0x99: {  	_ =	shalt  }

// kernel: kernel.7.cloned.1.call-start
scs
__scs_entry_jumppad:
0x0: {  	(pc) =	sbr.rel $0x88, $3  }
0x1: {  	(tag) =	ssettag $0x0;
	lr =	simm.s32 $0x1  }
0x2: {  	[smem:$0x3F9D] =	sst lr;
	_ =	strace $0xD0000000  }
0x3: {  	_ = 	snop  }
0x4: {  	_ = 	snop  }
0x5: {  	_ = 	snop  }
0x6: {  	_ = 	snop  }
0x7: {  	_ = 	snop  }
__scs_overlays_trampoline_lowered:
0x8: {  	[smem:$0x3FAC] =	sst s0  }
0x9: {  	[smem:$0x3FAD] =	sst s1  }
0xa: {  	[smem:$0x3FAE] =	sst s2  }
0xb: {  	[smem:$0x3FAF] =	sst s3  }
0xc: {  	[smem:$0x3FB0] =	sst s4  }
0xd: {  	[smem:$0x3FB1] =	sst s5  }
0xe: {  	[smem:$0x3FB2] =	sst s6  }
0xf: {  	[smem:$0x3FB3] =	sst s7  }
0x10: {  	[smem:$0x3FB4] =	sst s8  }
0x11: {  	[smem:$0x3FB5] =	sst s9;
	s0 =	simm.s32 @!p0 $0x0  }
0x12: {  	s1 =	sld [smem:$0x3F9B];
	s0 =	simm.s32 @p0 $0x1  }
0x13: {  	[smem:$0x3FB6] =	sst s0;
	s0 =	simm.s32 @!p1 $0x0  }
0x14: {  	s2 =	sld [smem:$0x3F9A];
	s0 =	simm.s32 @p1 $0x1  }
0x15: {  	[smem:$0x3FB7] =	sst s0;
	s0 =	simm.s32 @!p2 $0x0  }
0x16: {  	s3 =	sld [smem:$0x3FDB];
	s0 =	simm.s32 @p2 $0x1  }
0x17: {  	s4 =	simm.s32 $0x1BF5;
	[smem:$0x3FB9] =	sst s0  }
0x18: {  	s0 =	sld [smem:$0x3F9C];
	_ =	swait.ge [sflag:s4], $0x0  }
0x19: {  	s7 =	sld [smem:$0x3F9D]  }
0x1a: {  	s8 =	sadd.s32 $0xFFFFE003, lr  }
0x1b: {  	s9 =	sadd.s32 $0xFFFFFEF7, lr;
	s5 =	simm.s32 $0xFFFFFFFF;
	p2 =	slt.u32 s8, $0xFFFFF086  }
0x1c: {  	p1 =	slt.u32 s9, $0xF7A;
	s5 =	simm.s32 @!p2 $0x0  }
0x1d: {  	s5 =	simm.s32 @p1 $0x1;
	p0 =	seq.s32 s7, s2  }
0x1e: {  	s7 =	smul.u32 @!p0 $0xF7A, s2;
	p2 =	seq.s32 @!p0 s5, $0x0  }
0x1f: {  	s9 =	smul.u32 $0xF7A, s1;
	s8 =	simm.s32 @!p0 $0x1BF5;
	p2 =	por !p2, p0  }
0x20: {  	[sflag:s8] =	ssyncset.s32 @!p0 $0xFFFFF086;
	s6 =	sadd.s32 @!p0 s3, s7;
	s7 =	simm.s32 @!p0 $0x108  }
0x21: {  	s3 =	sadd.s32 s3, s9;
	s6 =	sadd.s32 @!p0 $0x88, s6;
	s7 =	simm.s32 @p2 $0x1082  }
0x22: {  	[simem:s7], [sflag:s8] =	dma.local @!p0 [hbm:s6], $0xF7A  }
0x23: {  	s9 =	sor.u32 $0xD0000000, s2;
	s6 =	simm.s32 $0x108;
	_ =	swait.ge @!p0 [sflag:s8], $0x0  }
0x24: {  	s3 =	sadd.s32 $0x88, s3;
	s6 =	simm.s32 @!p1 $0x1082;
	[sflag:s4] =	ssyncset.s32 $0xFFFFF086  }
0x25: {  	[simem:s6], [sflag:s4] =	dma.local [hbm:s3], $0xF7A  }
0x26: {  	[smem:$0x3F9D] =	sst s1;
	(tag) =	ssettag s2;
	_ =	strace s9  }
0x27: {  	s1 =	sld [smem:$0x3FAD]  }
0x28: {  	s2 =	sld [smem:$0x3FAE]  }
0x29: {  	s4 =	sld [smem:$0x3FB0]  }
0x2a: {  	p0 =	seq.s32 s5, $0x0;
	s5 =	sld [smem:$0x3FB1]  }
0x2b: {  	s6 =	sld [smem:$0x3FB2]  }
0x2c: {  	s7 =	sld [smem:$0x3FB3]  }
0x2d: {  	s3 =	simm.s32 $0x108;
	s8 =	sld [smem:$0x3FB4]  }
0x2e: {  	s3 =	simm.s32 @!p0 $0x1082;
	s9 =	sld [smem:$0x3FB5]  }
0x2f: {  	lr =	sadd.s32 s0, s3;
	s0 =	sld [smem:$0x3FAC]  }
0x30: {  	s3 =	sld [smem:$0x3FAF]  }
0x31: {  	[smem:$0x3FB8] =	sst s10  }
0x32: {  	s10 =	sld [smem:$0x3FB6];
	_ =	sdelay $0x3  }
0x33: {  	p0 =	seq.s32 s10, $0x1;
	s10 =	sld [smem:$0x3FB8];
	_ =	sdelay $0x3  }
0x34: {  	[smem:$0x3FB8] =	sst s10  }
0x35: {  	s10 =	sld [smem:$0x3FB7];
	_ =	sdelay $0x3  }
0x36: {  	p1 =	seq.s32 s10, $0x1;
	s10 =	sld [smem:$0x3FB8];
	_ =	sdelay $0x3  }
0x37: {  	[smem:$0x3FB8] =	sst s10  }
0x38: {  	s10 =	sld [smem:$0x3FB9]  }
0x39: {  	_ = 	snop;
	(pc) =	sbr.ind lr, $3  }
0x3a: {  	_ = 	snop  }
0x3b: {  	_ = 	snop  }
0x3c: {  	p2 =	seq.s32 s10, $0x1;
	s10 =	sld [smem:$0x3FB8]  }
0x3d: {  	_ =	shalt  }
0x3e: {  	_ =	shalt  }
0x3f: {  	_ =	shalt  }
0x40: {  	_ =	shalt  }
0x41: {  	_ =	shalt  }
0x42: {  	_ =	shalt  }
0x43: {  	_ =	shalt  }
0x44: {  	_ =	shalt  }
0x45: {  	_ =	shalt  }
0x46: {  	_ =	shalt  }
0x47: {  	_ =	shalt  }
0x48: {  	_ =	shalt  }
0x49: {  	_ =	shalt  }
0x4a: {  	_ =	shalt  }
0x4b: {  	_ =	shalt  }
0x4c: {  	_ =	shalt  }
0x4d: {  	_ =	shalt  }
0x4e: {  	_ =	shalt  }
0x4f: {  	_ =	shalt  }
0x50: {  	_ =	shalt  }
0x51: {  	_ =	shalt  }
0x52: {  	_ =	shalt  }
0x53: {  	_ =	shalt  }
0x54: {  	_ =	shalt  }
0x55: {  	_ =	shalt  }
0x56: {  	_ =	shalt  }
0x57: {  	_ =	shalt  }
0x58: {  	_ =	shalt  }
0x59: {  	_ =	shalt  }
0x5a: {  	_ =	shalt  }
0x5b: {  	_ =	shalt  }
0x5c: {  	_ =	shalt  }
0x5d: {  	_ =	shalt  }
0x5e: {  	_ =	shalt  }
0x5f: {  	_ =	shalt  }
0x60: {  	_ =	shalt  }
0x61: {  	_ =	shalt  }
0x62: {  	_ =	shalt  }
0x63: {  	_ =	shalt  }
0x64: {  	_ =	shalt  }
0x65: {  	_ =	shalt  }
0x66: {  	_ =	shalt  }
0x67: {  	_ =	shalt  }
0x68: {  	_ =	shalt  }
0x69: {  	_ =	shalt  }
0x6a: {  	_ =	shalt  }
0x6b: {  	_ =	shalt  }
0x6c: {  	_ =	shalt  }
0x6d: {  	_ =	shalt  }
0x6e: {  	_ =	shalt  }
0x6f: {  	_ =	shalt  }
0x70: {  	_ =	shalt  }
0x71: {  	_ =	shalt  }
0x72: {  	_ =	shalt  }
0x73: {  	_ =	shalt  }
0x74: {  	_ =	shalt  }
0x75: {  	_ =	shalt  }
0x76: {  	_ =	shalt  }
0x77: {  	_ =	shalt  }
0x78: {  	_ =	shalt  }
0x79: {  	_ =	shalt  }
0x7a: {  	_ =	shalt  }
0x7b: {  	_ =	shalt  }
0x7c: {  	_ =	shalt  }
0x7d: {  	_ =	shalt  }
0x7e: {  	_ =	shalt  }
0x7f: {  	_ =	shalt  }
0x80: {  	_ =	shalt  }
0x81: {  	_ =	shalt  }
0x82: {  	_ =	shalt  }
0x83: {  	_ =	shalt  }
0x84: {  	_ =	shalt  }
0x85: {  	_ =	shalt  }
0x86: {  	_ =	shalt  }
0x87: {  	_ =	shalt  }
.Lfunc_end0:
.L_simem_size_0:
called_computation.1_lowered:
.L_overlay_start_0:
0x88: {  	s2 =	sld [smem:$0x3FD9]  }
0x89: {  	s3 =	sld [smem:$0x3FFE];
	_ =	sdelay $0x1  }
0x8a: {  	s1 =	srdreg.scid  }
0x8b: {  	s0 =	sand.u32 $0x1, s1  }
0x8c: {  	s17 =	sshll.u32 s0, $0xA;
	s2 =	sadd.s32 s3, s2  }
0x8d: {  	s2 =	sadd.s32 s2, s17  }
0x8e: {  	[smem:$0x3FC4] =	sst s2  }
0x8f: {  	_ = 	snop  }
0x90: {  	s2 =	sld [smem:$0x3FD0];
	(tm) =	ssettm $0x1  }
0x91: {  	s18 =	sld [smem:$0x3FFB];
	_ =	sdelay $0x3  }
0x92: {  	_ =	strace s18  }
0x93: {  	s3 =	sld [smem:$0x3FFC];
	_ =	sdelay $0x3  }
0x94: {  	_ =	strace s3  }
0x95: {  	s3 =	sld [smem:$0x3FFD];
	_ =	sdelay $0x3  }
0x96: {  	_ =	strace s3  }
0x97: {  	_ =	strace $0x8FFFFFFF  }
0x98: {  	s19 =	sld [smem:$0x3FDB];
	_ =	sdelay $0x1  }
0x99: {  	s4 =	simm.s32 $_scs_section_size  }
0x9a: {  	s5 =	simm.s32 $_size__tile_overlayer_lowered;
	s6 =	simm.s32 $_tile_overlayer_lowered  }
0x9b: {  	s22 =	simm.s32 $0x1BFF;
	s21 =	sshll.u32 s6, $0x1;
	s3 =	sadd.s32 s4, s19  }
0x9c: {  	s7 =	simm.s32 $0x0;
	s20 =	sshll.u32 s5, $0x1;
	s5 =	sadd.s32 s21, s3  }
0x9d: {  	[timem:s7], [sflag:s22] =	dma.local [hbm:s5], s20  }
0x9e: {  	_ =	swait.ge [sflag:s22], s20  }
0x9f: {  	s4 =	ssub.s32 $0x0, s20;
	[sflag:s22] =	ssyncset.done $0x0  }
0xa0: {  	[sflag:s22] =	ssyncadd.s32 s4;
	_ =	sdelay $0x1  }
0xa1: {  	s23 =	simm.s32 $0x1B8B  }
0xa2: {  	_ =	swait.ge [sflag:s23], $0x1  }
0xa3: {  	[sflag:s23] =	ssyncset.done $0x0  }
0xa4: {  	s25 =	simm.s32 $0x1B8E;
	s24 =	sld [smem:$0x3FFE];
	[sflag:s23] =	ssyncadd.s32 $0xFFFFFFFF  }
0xa5: {  	s26 =	simm.s32 $execute0_lowered;
	[smem:$0x3FD2] =	sst s25  }
0xa6: {  	s5 =	sshll.u32 s26, $0x1;
	_ =	strace $0x80000049;
	[dreg:$0x1] =	wrdreg $0xFFFFFFFF  }
0xa7: {  	s28 =	simm.s32 $_size_execute0_lowered;
	s3 =	sadd.s32 s3, s5;
	[dreg:$0x0] =	wrdreg $0x0  }
0xa8: {  	s5 =	sshll.u32 s28, $0x1;
	[dreg:$0x2] =	wrdreg s3  }
0xa9: {  	[dreg:$0x3] =	wrdreg s5  }
0xaa: {  	[dreg:$0x4] =	wrdreg $0xC0  }
0xab: {  	_ =	task [dreg:s7], $0x5FFFF  }
0xac: {  	[dreg:$0x1] =	wrdreg $0xFFFFFFFF  }
0xad: {  	[dreg:$0x0] =	wrdreg $0x60  }
0xae: {  	[dreg:$0x2] =	wrdreg s24  }
0xaf: {  	[dreg:$0x3] =	wrdreg s2  }
0xb0: {  	[dreg:$0x4] =	wrdreg $0x9  }
0xb1: {  	_ =	task.clear_ibuf [dreg:s7], $0x5FFFF;
	_ =	strace $0x90000049  }
0xb2: {  	s29 =	simm.s32 $0x9;
	_ =	strace $0x8000004B  }
0xb3: {  	_ =	swait.ge [sflag:s29], $0x1  }
0xb4: {  	[sflag:s29] =	ssyncadd.s32 $0xFFFFFFFF  }
0xb5: {  	_ =	strace $0x9000004B  }
0xb6: {  	_ =	sfence  }
0xb7: {  	s30 =	sld [smem:$0x0];
	_ =	sdelay $0x2  }
0xb8: {  	s31 =	sshll.u32 s1, $0xD;
	s1 =	sshrl.u32 s1, $0x2  }
0xb9: {  	s3 =	sand.u32 $0x4000, s31;
	s1 =	sadd.s32 s1, s30  }
0xba: {  	s0 =	sor.u32 s3, s0;
	s1 =	sshll.u32 s1, $0x11  }
0xbb: {  	s0 =	sor.u32 s1, s0  }
0xbc: {  	s0 =	sadd.s32 $0x8F2B, s0  }
0xbd: {  	[sflag:s0] =	ssyncadd.remote.s32 $0x1  }
0xbe: {  	_ =	sfence.sel $0xFFFF  }
0xbf: {  	[dreg:$0x0] =	wrdreg $0xFFFFFFFF;
	(pc) =	sbr.abs _section_cstart, $3  }
0xc0: {  	[dreg:$0x1] =	wrdreg $0xFFFFFFFF  }
0xc1: {  	_ =	task.clear_ibuf [dreg:s7], $0x2FFFF;
	_ =	strace $0x9FFFFFFF  }
0xc2: {  	(tm) =	ssettm $0x7FFFFFFF  }
0xc3: {  	_ =	shalt  }
tec
execute0_lowered:
.L_overlay_start_1:
0x0: {  	(tag) =	ssettag $0x1  }
0x1: {  	s0 =	srdreg.scid  }
0x2: {  	s9 =	stileid.u32;
	s15 =	rddreg [dreg:$0x0]  }
0x3: {  	s2 =	rddreg [dreg:$0x1];
	s3 =	simm.s32 $0x0;
	s16 =	simm.s32 $0x1  }
0x4: {  	s18 =	simm.s32 $0xC80;
	s19 =	simm.s32 $0xD480;
	s20 =	simm.s32 $0x3  }
0x5: {  	s21 =	simm.s32 $0x19C80;
	s22 =	simm.s32 $0x4;
	s23 =	simm.s32 $0x13880  }
0x6: {  	s24 =	simm.s32 $0x7080;
	s0 =	sand.u32 $0x1, s0;
	s1 =	sshll.u32 s9, $0x1  }
0x7: {  	s25 =	simm.s32 $0x1A2C0;
	s26 =	simm.s32 $0x5;
	s1 =	sor.u32 s0, s1  }
0x8: {  	s28 =	simm.s32 $0x6;
	s29 =	simm.s32 $0x0;
	s4 =	smul.u32 $0x27, s1  }
0x9: {  	[smem:$0x7FF] =	sst s3;
	s5 =	sadd.s32 $0x3D200, s15;
	s1 =	smin.u32 s1, $0x2  }
0xa: {  	s6 =	sadd.s32 $0x44AE00, s15;
	s0 =	ssub.s32 $0x2, s0;
	s4 =	sadd.s32 s1, s4  }
0xb: {  	p0 =	seq.s32 s9, $0x0;
	s8 =	sshrl.u32 s0, $0x1;
	s1 =	smul.u32 $0xC80, s4  }
0xc: {  	_ =	strace $0x8000004A;
	s0 =	ssub.s32 s0, s8;
	s7 =	smul.u32 $0x640, s4  }
.Ltmp0:
0xd: {  	s14 =	smax.u32 s0, $0x1;
	s1 =	sadd.s32 s1, s15;
	(pc) =	sbr.rel .LBB2_1-.Ltmp0, $4  }
0xe: {  	s30 =	sshrl.u32 s7, $0x3;
	s7 =	simm.s32 $0x28;
	s15 =	sadd.s32 $0x7B080, s15  }
0xf: {  	v0 =	vlaneseq.u32;
	s8 =	sadd.s32 s5, s30;
	s7 =	simm.s32 @!p0 $0x27;
	s1 =	sadd.s32 $0x7A400, s1  }
0x10: {  	v0 =	vmul.u32 $0x10, v0;
	[dreg:$0x3] =	wrdreg s1;
	s31 =	sadd.s32 $0xC8, s8;
	s11 =	sadd.s32 $0xFFFFFFFF, s7  }
0x11: {  	s12 =	sadd.s32 $0xFFFFFFFE, s7;
	s13 =	sadd.s32 $0xFFFFFFFD, s7;
	[dreg:$0x4] =	wrdreg s31  }
.LBB2_11:
0x12: {  	s29 =	sadd.s32 $0x1, s29  }
0x13: {  	_ =	swait.ge [sflag:s26], $0x640;
	p0 =	sne.s32 s29, s14  }
.Ltmp1:
0x14: {  	[sflag:s26] =	ssyncset.done $0x0;
	(pc) =	sbr.rel @!p0 .LBB2_12-.Ltmp1, $4  }
0x15: {  	[sflag:s26] =	ssyncadd.s32 $0xFFFFF9C0  }
0x16: {  	_ =	swait.ge [sflag:s28], $0x640  }
0x17: {  	[sflag:s28] =	ssyncset.done $0x0  }
0x18: {  	[sflag:s28] =	ssyncadd.s32 $0xFFFFF9C0  }
.LBB2_1:
0x19: {  	[tilespmem:s3], [sflag:$0x1] =	stream.linear.gather [hbm4b:s8+s3], $0x640, $0x38;
	[tilespmem:$0x1A900] =	vst v63  }
0x1a: {  	_ =	swait.ge [sflag:s16], $0x640  }
0x1b: {  	[sflag:s16] =	ssyncset.done $0x0  }
0x1c: {  	s1 =	simm.s32 $0x640;
	[sflag:s16] =	ssyncadd.s32 $0xFFFFF9C0  }
0x1d: {  	[tilespmem:s18], [sflag:$0x3] =	stream.indirect.gather [hbm4b:s6+s1], $0x10, s3, s1, $0xb8;
	[tilespmem:$0x1A900] =	vst v63  }
.Ltmp2:
0x1e: {  	_ = 	snop;
	(pc) =	sbr.rel .LBB2_2-.Ltmp2, $4  }
0x1f: {  	s0 =	rddreg [dreg:$0x3]  }
0x20: {  	[tilespmem:s19], [sflag:$0x3] =	stream.linear.gather [hbm4b:s0+s3], $0x6400, $0x38;
	[tilespmem:$0x1A900] =	vst v63  }
0x21: {  	s30 =	simm.s32 $0x0;
	s31 =	rddreg [dreg:$0x4]  }
0x22: {  	[tilespmem:s1], [sflag:$0x2] =	stream.linear.gather [hbm4b:s31+s3], $0x640, $0x38;
	[tilespmem:$0x1A900] =	vst v63  }
.LBB2_10:
0x23: {  	s30 =	sadd.s32 $0x1, s30  }
0x24: {  	p0 =	sne.s32 s30, $0x14  }
.Ltmp3:
0x25: {  	_ = 	snop;
	(pc) =	sbr.rel @!p0 .LBB2_11-.Ltmp3, $1  }
0x26: {  	_ =	sdelay $0x3  }
.LBB2_2:
0x27: {  	s31 =	sshll.u32 s30, $0x1  }
0x28: {  	p0 =	sge.u32 s31, s7  }
.Ltmp4:
0x29: {  	_ = 	snop;
	(pc) =	sbr.rel @p0 .LBB2_6-.Ltmp4, $1  }
0x2a: {  	_ =	sdelay $0x3  }
0x2b: {  	_ =	swait.ge [sflag:s20], $0x6400  }
0x2c: {  	[sflag:s20] =	ssyncset.done $0x0  }
0x2d: {  	[sflag:s20] =	ssyncadd.s32 $0xFFFF9C00  }
0x2e: {  	_ =	swait.ge [sflag:s20], $0x6400  }
0x2f: {  	p0 =	sge.u32 s31, s11;
	[sflag:s20] =	ssyncset.done $0x0  }
0x30: {  	s0 =	simm.s32 @!p0 $0x2;
	[sflag:s20] =	ssyncadd.s32 $0xFFFF9C00  }
0x31: {  	_ =	swait.ge @!p0 [sflag:s0], $0x640  }
0x32: {  	[sflag:s0] =	ssyncset.done @!p0 $0x0  }
0x33: {  	[sflag:s0] =	ssyncadd.s32 @!p0 $0xFFFFF9C0;
	s0 =	sadd.s32 @!p0 s4, s31  }
0x34: {  	s1 =	simm.s32 @!p0 $0x640;
	s17 =	simm.s32 @!p0 $0x7080;
	s0 =	smul.u32 @!p0 $0x640, s0  }
0x35: {  	[tilespmem:s17], [sflag:$0x4] =	stream.indirect.gather @!p0 [hbm4b:s6+s1], $0x10, s1, s1, $0xb8;
	[tilespmem:$0x1A900] =	vst v63  }
0x36: {  	p1 =	sge.u32 s31, s12;
	s0 =	smin.u32 @!p0 s0, $0x1E7800  }
0x37: {  	s9 =	simm.s32 @!p0 $0x13880;
	s1 =	sadd.s32 @!p1 s4, s31;
	s0 =	sshll.u32 @!p0 s0, $0x1  }
0x38: {  	s17 =	simm.s32 @!p0 $0x0;
	s1 =	smul.u32 @!p1 $0x640, s1;
	s0 =	sadd.s32 @!p0 s15, s0  }
0x39: {  	[tilespmem:s9], [sflag:$0x4] =	stream.linear.gather @!p0 [hbm4b:s0+s17], $0x6400, $0x38;
	[tilespmem:$0x1A900] =	vst v63  }
0x3a: {  	s0 =	smin.u32 @!p1 s1, $0x1E71C0  }
0x3b: {  	s17 =	simm.s32 $0x0;
	s0 =	sshrl.u32 @!p1 s0, $0x3  }
0x3c: {  	v1 =	vmov s17;
	s0 =	sadd.s32 @!p1 s5, s0  }
0x3d: {  	s9 =	simm.s32 @!p1 $0x0;
	p0 =	seq.s32 s30, $0x0;
	v1 =	vshll.u32 v1, $0x4;
	s0 =	sadd.s32 @!p1 $0x190, s0  }
0x3e: {  	v1 =	vor.u32 v0, v1;
	[tilespmem:s9], [sflag:$0x1] =	stream.linear.gather @!p1 [hbm4b:s0+s9], $0x640, $0x38;
	[tilespmem:$0x1A900] =	vst v63  }
0x3f: {  	s0 =	simm.s32 @!p0 $0x5  }
0x40: {  	v2 =	vor.u32 $0x1, v1;
	_ =	swait.ge @!p0 [sflag:s0], $0x640  }
0x41: {  	[sflag:s0] =	ssyncset.done @!p0 $0x0  }
0x42: {  	v3 =	vor.u32 $0x2, v1;
	[sflag:s0] =	ssyncadd.s32 @!p0 $0xFFFFF9C0  }
0x43: {  	v4 =	vld.idx.msk [tilespmem:v1+s19+$0x0], $0xffff  }
0x44: {  	v6 =	vor.u32 $0x3, v1;
	v5 =	vld.idx.msk [tilespmem:v1+s18+$0x0], $0xffff  }
0x45: {  	v7 =	vld.idx.msk [tilespmem:v2+s19+$0x0], $0xffff  }
0x46: {  	v8 =	vor.u32 $0x4, v1;
	v2 =	vld.idx.msk [tilespmem:v2+s18+$0x0], $0xffff  }
0x47: {  	v9 =	vld.idx.msk [tilespmem:v3+s19+$0x0], $0xffff  }
0x48: {  	v10 =	vor.u32 $0x5, v1;
	v3 =	vld.idx.msk [tilespmem:v3+s18+$0x0], $0xffff  }
0x49: {  	v11 =	vld.idx.msk [tilespmem:v6+s19+$0x0], $0xffff  }
0x4a: {  	v12 =	vor.u32 $0x6, v1;
	v6 =	vld.idx.msk [tilespmem:v6+s18+$0x0], $0xffff  }
0x4b: {  	v13 =	vld.idx.msk [tilespmem:v8+s19+$0x0], $0xffff  }
0x4c: {  	v14 =	vor.u32 $0x7, v1;
	v8 =	vld.idx.msk [tilespmem:v8+s18+$0x0], $0xffff  }
0x4d: {  	v15 =	vld.idx.msk [tilespmem:v10+s19+$0x0], $0xffff  }
0x4e: {  	v16 =	vor.u32 $0x8, v1;
	v10 =	vld.idx.msk [tilespmem:v10+s18+$0x0], $0xffff  }
0x4f: {  	v17 =	vld.idx.msk [tilespmem:v12+s19+$0x0], $0xffff  }
0x50: {  	v18 =	vor.u32 $0x9, v1;
	v12 =	vld.idx.msk [tilespmem:v12+s18+$0x0], $0xffff  }
0x51: {  	v19 =	vld.idx.msk [tilespmem:v14+s19+$0x0], $0xffff  }
0x52: {  	v20 =	vor.u32 $0xA, v1;
	v14 =	vld.idx.msk [tilespmem:v14+s18+$0x0], $0xffff  }
0x53: {  	v21 =	vld.idx.msk [tilespmem:v16+s19+$0x0], $0xffff  }
0x54: {  	v22 =	vor.u32 $0xB, v1;
	v16 =	vld.idx.msk [tilespmem:v16+s18+$0x0], $0xffff  }
0x55: {  	v23 =	vld.idx.msk [tilespmem:v18+s19+$0x0], $0xffff  }
0x56: {  	v26 =	vor.u32 $0xD, v1;
	v18 =	vld.idx.msk [tilespmem:v18+s18+$0x0], $0xffff  }
0x57: {  	v28 =	vor.u32 $0xE, v1;
	v25 =	vld.idx.msk [tilespmem:v20+s19+$0x0], $0xffff  }
0x58: {  	v24 =	vor.u32 $0xC, v1;
	v20 =	vld.idx.msk [tilespmem:v20+s18+$0x0], $0xffff  }
0x59: {  	v27 =	vld.idx.msk [tilespmem:v22+s19+$0x0], $0xffff  }
0x5a: {  	s10 =	simm.s32 $0x10;
	v1 =	vor.u32 $0xF, v1;
	v22 =	vld.idx.msk [tilespmem:v22+s18+$0x0], $0xffff;
	v4 =	vmul.f32 v5, v4  }
0x5b: {  	v29 =	vmov s10;
	v56 =	vld.idx.msk [tilespmem:v26+s19+$0x0], $0xffff  }
0x5c: {  	v57 =	vld.idx.msk [tilespmem:v28+s18+$0x0], $0xffff;
	v2 =	vmul.f32 v2, v7;
	v7 =	vshll.u32 v29, $0x4;
	v4 =	vadd.f32 $0.0e+00, v4  }
0x5d: {  	v5 =	vld.idx.msk [tilespmem:v24+s19+$0x0], $0xffff;
	v30 =	vor.u32 v0, v7  }
0x5e: {  	v24 =	vld.idx.msk [tilespmem:v24+s18+$0x0], $0xffff;
	v3 =	vmul.f32 v3, v9;
	v2 =	vadd.f32 v2, v4  }
0x5f: {  	v58 =	vld.idx.msk [tilespmem:v1+s18+$0x0], $0xffff;
	v9 =	vor.u32 $0x1, v30  }
0x60: {  	v7 =	vld.idx.msk [tilespmem:v26+s18+$0x0], $0xffff;
	v2 =	vadd.f32 v3, v2;
	v3 =	vmul.f32 v6, v11  }
0x61: {  	v6 =	vld.idx.msk [tilespmem:v1+s19+$0x0], $0xffff;
	v11 =	vor.u32 $0x2, v30  }
0x62: {  	v1 =	vadd.f32 v3, v2;
	v2 =	vmul.f32 v8, v13;
	v3 =	vld.idx.msk [tilespmem:v30+s19+$0x0], $0xffff  }
0x63: {  	v8 =	vld.idx.msk [tilespmem:v30+s18+$0x0], $0xffff;
	v13 =	vor.u32 $0x3, v30  }
0x64: {  	v1 =	vadd.f32 v2, v1;
	v2 =	vmul.f32 v10, v15;
	v10 =	vld.idx.msk [tilespmem:v9+s19+$0x0], $0xffff  }
0x65: {  	v9 =	vld.idx.msk [tilespmem:v9+s18+$0x0], $0xffff;
	v15 =	vor.u32 $0x4, v30  }
0x66: {  	v1 =	vadd.f32 v2, v1;
	v2 =	vmul.f32 v12, v17;
	v12 =	vld.idx.msk [tilespmem:v11+s19+$0x0], $0xffff  }
0x67: {  	v11 =	vld.idx.msk [tilespmem:v11+s18+$0x0], $0xffff  }
0x68: {  	v59 =	vor.u32 $0x5, v30;
	v3 =	vmul.f32 v8, v3;
	v8 =	vld.idx.msk [tilespmem:v13+s18+$0x0], $0xffff  }
0x69: {  	v1 =	vadd.f32 v2, v1;
	v2 =	vmul.f32 v14, v19;
	v14 =	vld.idx.msk [tilespmem:v13+s19+$0x0], $0xffff  }
0x6a: {  	v13 =	vor.u32 $0x6, v30;
	v60 =	vld.idx.msk [tilespmem:v15+s19+$0x0], $0xffff;
	v3 =	vadd.f32 $0.0e+00, v3;
	v9 =	vmul.f32 v9, v10  }
0x6b: {  	v10 =	vld.idx.msk [tilespmem:v15+s18+$0x0], $0xffff;
	v1 =	vadd.f32 v2, v1;
	v2 =	vmul.f32 v16, v21  }
0x6c: {  	v4 =	vld.idx.msk [tilespmem:v28+s19+$0x0], $0xffff;
	v15 =	vor.u32 $0x7, v30;
	v3 =	vadd.f32 v9, v3;
	v9 =	vmul.f32 v11, v12  }
0x6d: {  	v61 =	vld.idx.msk [tilespmem:v59+s19+$0x0], $0xffff;
	v1 =	vadd.f32 v2, v1;
	v2 =	vmul.f32 v18, v23  }
0x6e: {  	v11 =	vld.idx.msk [tilespmem:v59+s18+$0x0], $0xffff;
	v12 =	vor.u32 $0x8, v30;
	v3 =	vadd.f32 v9, v3;
	v8 =	vmul.f32 v8, v14  }
0x6f: {  	v62 =	vld.idx.msk [tilespmem:v13+s19+$0x0], $0xffff;
	v1 =	vadd.f32 v2, v1;
	v2 =	vmul.f32 v20, v25  }
0x70: {  	v9 =	vld.idx.msk [tilespmem:v13+s18+$0x0], $0xffff;
	v13 =	vor.u32 $0x9, v30;
	v3 =	vadd.f32 v8, v3;
	v8 =	vmul.f32 v10, v60  }
0x71: {  	v14 =	vld.idx.msk [tilespmem:v15+s19+$0x0], $0xffff;
	v1 =	vadd.f32 v2, v1;
	v2 =	vmul.f32 v22, v27  }
0x72: {  	v10 =	vld.idx.msk [tilespmem:v15+s18+$0x0], $0xffff;
	v15 =	vor.u32 $0xA, v30;
	v3 =	vadd.f32 v8, v3  }
0x73: {  	v8 =	vmul.f32 v11, v61;
	v11 =	vld.idx.msk [tilespmem:v12+s18+$0x0], $0xffff;
	v1 =	vadd.f32 v2, v1;
	v2 =	vmul.f32 v24, v5  }
0x74: {  	v5 =	vld.idx.msk [tilespmem:v12+s19+$0x0], $0xffff;
	v12 =	vor.u32 $0xB, v30  }
0x75: {  	v63 =	vld.idx.msk [tilespmem:v13+s19+$0x0], $0xffff;
	v1 =	vadd.f32 v2, v1;
	v2 =	vmul.f32 v7, v56  }
0x76: {  	v3 =	vadd.f32 v8, v3;
	v7 =	vmul.f32 v9, v62;
	v9 =	vld.idx.msk [tilespmem:v13+s18+$0x0], $0xffff;
	v13 =	vor.u32 $0xC, v30  }
0x77: {  	v8 =	vmul.f32 v57, v4;
	v4 =	vld.idx.msk [tilespmem:v15+s18+$0x0], $0xffff;
	v2 =	vadd.f32 v2, v1  }
0x78: {  	v1 =	vld.idx.msk [tilespmem:v15+s19+$0x0], $0xffff;
	v3 =	vadd.f32 v7, v3;
	v7 =	vmul.f32 v10, v14;
	v10 =	vor.u32 $0xD, v30  }
0x79: {  	v6 =	vmul.f32 v58, v6;
	v14 =	vmul.f32 v11, v5;
	v5 =	vld.idx.msk [tilespmem:v12+s18+$0x0], $0xffff;
	v8 =	vadd.f32 v8, v2  }
0x7a: {  	v11 =	vor.u32 $0xE, v30;
	v2 =	vld.idx.msk [tilespmem:v12+s19+$0x0], $0xffff;
	v7 =	vadd.f32 v7, v3  }
0x7b: {  	s17 =	simm.s32 $0x20;
	v12 =	vor.u32 $0xF, v30;
	v3 =	vld.idx.msk [tilespmem:v13+s19+$0x0], $0xffff;
	v6 =	vadd.f32 v6, v8  }
0x7c: {  	s1 =	simm.s32 $0x19C80;
	v9 =	vmul.f32 v9, v63;
	v8 =	vadd.f32 v14, v7;
	v14 =	vmov s17;
	v7 =	vld.idx.msk [tilespmem:v13+s18+$0x0], $0xffff  }
0x7d: {  	s0 =	simm.s32 $0x30;
	v13 =	vshll.u32 v14, $0x4;
	[tilespmem:s1+$0x0] =	vst v6;
	v6 =	vld.idx.msk [tilespmem:v10+s19+$0x0], $0xffff  }
.LBB2_4:
0x7e: {  	p0 =	sne.s32 s0, $0x630;
	v13 =	vor.u32 v0, v13;
	v8 =	vadd.f32 v9, v8;
	v1 =	vmul.f32 v4, v1;
	v4 =	vld.idx.msk [tilespmem:v10+s18+$0x0], $0xffff  }
0x7f: {  	v9 =	vld.idx.msk [tilespmem:v11+s19+$0x0], $0xffff  }
0x80: {  	v10 =	vor.u32 $0x1, v13;
	v2 =	vmul.f32 v5, v2;
	v1 =	vadd.f32 v1, v8;
	v5 =	vld.idx.msk [tilespmem:v11+s18+$0x0], $0xffff  }
0x81: {  	v8 =	vld.idx.msk [tilespmem:v12+s19+$0x0], $0xffff  }
0x82: {  	v11 =	vor.u32 $0x2, v13;
	v1 =	vadd.f32 v2, v1;
	v2 =	vmul.f32 v7, v3;
	v3 =	vld.idx.msk [tilespmem:v12+s18+$0x0], $0xffff  }
0x83: {  	v7 =	vld.idx.msk [tilespmem:v13+s19+$0x0], $0xffff  }
0x84: {  	v14 =	vor.u32 $0x3, v13;
	v12 =	vld.idx.msk [tilespmem:v13+s18+$0x0], $0xffff;
	v1 =	vadd.f32 v2, v1;
	v2 =	vmul.f32 v4, v6  }
0x85: {  	v4 =	vld.idx.msk [tilespmem:v10+s19+$0x0], $0xffff  }
0x86: {  	v6 =	vld.idx.msk [tilespmem:v10+s18+$0x0], $0xffff;
	v10 =	vor.u32 $0x4, v13;
	v1 =	vadd.f32 v2, v1;
	v2 =	vmul.f32 v5, v9  }
0x87: {  	v5 =	vld.idx.msk [tilespmem:v11+s19+$0x0], $0xffff  }
0x88: {  	v9 =	vld.idx.msk [tilespmem:v11+s18+$0x0], $0xffff;
	v11 =	vor.u32 $0x5, v13;
	v1 =	vadd.f32 v2, v1;
	v2 =	vmul.f32 v3, v8  }
0x89: {  	v3 =	vld.idx.msk [tilespmem:v14+s19+$0x0], $0xffff  }
0x8a: {  	v7 =	vmul.f32 v12, v7;
	v12 =	vor.u32 $0x6, v13;
	v8 =	vld.idx.msk [tilespmem:v14+s18+$0x0], $0xffff;
	v1 =	vadd.f32 v2, v1  }
0x8b: {  	s1 =	sadd.s32 $0x10, s1;
	v2 =	vld.idx.msk [tilespmem:v10+s19+$0x0], $0xffff  }
0x8c: {  	v7 =	vadd.f32 $0.0e+00, v7;
	v4 =	vmul.f32 v6, v4;
	v6 =	vld.idx.msk [tilespmem:v10+s18+$0x0], $0xffff;
	v10 =	vor.u32 $0x7, v13;
	[tilespmem:s1+$0x0] =	vst v1  }
0x8d: {  	v1 =	vld.idx.msk [tilespmem:v11+s19+$0x0], $0xffff  }
0x8e: {  	v4 =	vadd.f32 v4, v7;
	v5 =	vmul.f32 v9, v5;
	v9 =	vor.u32 $0x8, v13;
	v7 =	vld.idx.msk [tilespmem:v11+s18+$0x0], $0xffff  }
0x8f: {  	v11 =	vld.idx.msk [tilespmem:v12+s19+$0x0], $0xffff  }
0x90: {  	v4 =	vadd.f32 v5, v4;
	v3 =	vmul.f32 v8, v3;
	v8 =	vor.u32 $0x9, v13;
	v5 =	vld.idx.msk [tilespmem:v12+s18+$0x0], $0xffff  }
0x91: {  	v12 =	vld.idx.msk [tilespmem:v10+s19+$0x0], $0xffff  }
0x92: {  	v3 =	vadd.f32 v3, v4;
	v2 =	vmul.f32 v6, v2;
	v6 =	vor.u32 $0xA, v13;
	v4 =	vld.idx.msk [tilespmem:v10+s18+$0x0], $0xffff  }
0x93: {  	v14 =	vld.idx.msk [tilespmem:v9+s19+$0x0], $0xffff  }
0x94: {  	v2 =	vadd.f32 v2, v3;
	v1 =	vmul.f32 v7, v1;
	v7 =	vor.u32 $0xB, v13;
	v3 =	vld.idx.msk [tilespmem:v9+s18+$0x0], $0xffff  }
0x95: {  	v9 =	vld.idx.msk [tilespmem:v8+s19+$0x0], $0xffff  }
0x96: {  	v16 =	vor.u32 $0xC, v13;
	v2 =	vadd.f32 v1, v2;
	v5 =	vmul.f32 v5, v11;
	v15 =	vld.idx.msk [tilespmem:v8+s18+$0x0], $0xffff  }
0x97: {  	v1 =	vld.idx.msk [tilespmem:v6+s19+$0x0], $0xffff  }
0x98: {  	v10 =	vor.u32 $0xD, v13;
	v5 =	vadd.f32 v5, v2;
	v8 =	vmul.f32 v4, v12;
	v4 =	vld.idx.msk [tilespmem:v6+s18+$0x0], $0xffff  }
.Ltmp5:
0x99: {  	v2 =	vld.idx.msk [tilespmem:v7+s19+$0x0], $0xffff;
	(pc) =	sbr.rel @p0 .LBB2_4-.Ltmp5, $4  }
0x9a: {  	v11 =	vor.u32 $0xE, v13;
	v6 =	vadd.f32 v8, v5;
	v8 =	vmul.f32 v3, v14;
	v5 =	vld.idx.msk [tilespmem:v7+s18+$0x0], $0xffff  }
0x9b: {  	v14 =	vmov s0;
	v3 =	vld.idx.msk [tilespmem:v16+s19+$0x0], $0xffff  }
0x9c: {  	v12 =	vor.u32 $0xF, v13;
	v8 =	vadd.f32 v8, v6;
	v9 =	vmul.f32 v15, v9;
	v7 =	vld.idx.msk [tilespmem:v16+s18+$0x0], $0xffff  }
0x9d: {  	s0 =	sadd.s32 $0x10, s0;
	v13 =	vshll.u32 v14, $0x4;
	v6 =	vld.idx.msk [tilespmem:v10+s19+$0x0], $0xffff  }
0x9e: {  	_ =	sdelay $0x3  }
0x9f: {  	v13 =	vor.u32 v0, v13;
	v10 =	vld.idx.msk [tilespmem:v10+s18+$0x0], $0xffff  }
0xa0: {  	v14 =	vld.idx.msk [tilespmem:v11+s19+$0x0], $0xffff  }
0xa1: {  	v11 =	vld.idx.msk [tilespmem:v11+s18+$0x0], $0xffff;
	v15 =	vor.u32 $0x1, v13  }
0xa2: {  	v16 =	vld.idx.msk [tilespmem:v12+s19+$0x0], $0xffff  }
0xa3: {  	v12 =	vld.idx.msk [tilespmem:v12+s18+$0x0], $0xffff;
	v17 =	vor.u32 $0x2, v13  }
0xa4: {  	v18 =	vld.idx.msk [tilespmem:v13+s19+$0x0], $0xffff  }
0xa5: {  	v20 =	vor.u32 $0x3, v13;
	v19 =	vld.idx.msk [tilespmem:v13+s18+$0x0], $0xffff  }
0xa6: {  	v21 =	vld.idx.msk [tilespmem:v15+s19+$0x0], $0xffff  }
0xa7: {  	v22 =	vor.u32 $0x4, v13;
	v15 =	vld.idx.msk [tilespmem:v15+s18+$0x0], $0xffff  }
0xa8: {  	v23 =	vld.idx.msk [tilespmem:v17+s19+$0x0], $0xffff  }
0xa9: {  	v24 =	vor.u32 $0x5, v13;
	v17 =	vld.idx.msk [tilespmem:v17+s18+$0x0], $0xffff  }
0xaa: {  	v25 =	vld.idx.msk [tilespmem:v20+s19+$0x0], $0xffff;
	v18 =	vmul.f32 v19, v18  }
0xab: {  	v28 =	vor.u32 $0x6, v13;
	v63 =	vld.idx.msk [tilespmem:v20+s18+$0x0], $0xffff  }
0xac: {  	v26 =	vld.idx.msk [tilespmem:v22+s19+$0x0], $0xffff;
	v15 =	vmul.f32 v15, v21;
	v18 =	vadd.f32 $0.0e+00, v18  }
0xad: {  	v30 =	vor.u32 $0x7, v13;
	v29 =	vld.idx.msk [tilespmem:v22+s18+$0x0], $0xffff  }
0xae: {  	v31 =	vld.idx.msk [tilespmem:v24+s19+$0x0], $0xffff;
	v17 =	vmul.f32 v17, v23;
	v15 =	vadd.f32 v15, v18  }
0xaf: {  	v33 =	vor.u32 $0x8, v13;
	v32 =	vld.idx.msk [tilespmem:v24+s18+$0x0], $0xffff  }
0xb0: {  	v34 =	vld.idx.msk [tilespmem:v28+s19+$0x0], $0xffff;
	v19 =	vmul.f32 v63, v25;
	v15 =	vadd.f32 v17, v15  }
0xb1: {  	v35 =	vor.u32 $0x9, v13;
	v20 =	vld.idx.msk [tilespmem:v28+s18+$0x0], $0xffff  }
0xb2: {  	v36 =	vld.idx.msk [tilespmem:v30+s19+$0x0], $0xffff;
	v21 =	vmul.f32 v29, v26;
	v15 =	vadd.f32 v19, v15  }
0xb3: {  	v37 =	vor.u32 $0xA, v13;
	v22 =	vld.idx.msk [tilespmem:v30+s18+$0x0], $0xffff  }
0xb4: {  	v38 =	vld.idx.msk [tilespmem:v33+s19+$0x0], $0xffff;
	v18 =	vmul.f32 v32, v31;
	v15 =	vadd.f32 v21, v15  }
0xb5: {  	v40 =	vor.u32 $0xB, v13;
	v39 =	vld.idx.msk [tilespmem:v33+s18+$0x0], $0xffff  }
0xb6: {  	v41 =	vld.idx.msk [tilespmem:v35+s19+$0x0], $0xffff;
	v17 =	vmul.f32 v20, v34;
	v15 =	vadd.f32 v18, v15  }
0xb7: {  	v43 =	vor.u32 $0xC, v13;
	v42 =	vld.idx.msk [tilespmem:v35+s18+$0x0], $0xffff  }
0xb8: {  	v44 =	vld.idx.msk [tilespmem:v37+s19+$0x0], $0xffff;
	v19 =	vmul.f32 v22, v36;
	v15 =	vadd.f32 v17, v15  }
0xb9: {  	v46 =	vor.u32 $0xD, v13;
	v45 =	vld.idx.msk [tilespmem:v37+s18+$0x0], $0xffff  }
0xba: {  	v47 =	vld.idx.msk [tilespmem:v40+s19+$0x0], $0xffff;
	v21 =	vmul.f32 v39, v38;
	v15 =	vadd.f32 v19, v15  }
0xbb: {  	v49 =	vor.u32 $0xE, v13;
	v48 =	vld.idx.msk [tilespmem:v40+s18+$0x0], $0xffff  }
0xbc: {  	v50 =	vld.idx.msk [tilespmem:v43+s19+$0x0], $0xffff;
	v18 =	vmul.f32 v42, v41;
	v15 =	vadd.f32 v21, v15  }
0xbd: {  	v8 =	vadd.f32 v9, v8;
	v1 =	vmul.f32 v4, v1;
	v52 =	vor.u32 $0xF, v13;
	v51 =	vld.idx.msk [tilespmem:v43+s18+$0x0], $0xffff  }
0xbe: {  	v55 =	vld.idx.msk [tilespmem:v46+s19+$0x0], $0xffff;
	v54 =	vmul.f32 v45, v44;
	v53 =	vadd.f32 v18, v15  }
0xbf: {  	v2 =	vmul.f32 v5, v2;
	v1 =	vadd.f32 v1, v8;
	v56 =	vld.idx.msk [tilespmem:v46+s18+$0x0], $0xffff  }
0xc0: {  	v59 =	vld.idx.msk [tilespmem:v49+s19+$0x0], $0xffff;
	v58 =	vmul.f32 v48, v47;
	v57 =	vadd.f32 v54, v53  }
0xc1: {  	v1 =	vadd.f32 v2, v1;
	v2 =	vmul.f32 v7, v3;
	v3 =	vld.idx.msk [tilespmem:v49+s18+$0x0], $0xffff  }
0xc2: {  	v61 =	vld.idx.msk [tilespmem:v52+s19+$0x0], $0xffff;
	v4 =	vmul.f32 v51, v50;
	v60 =	vadd.f32 v58, v57  }
0xc3: {  	v1 =	vadd.f32 v2, v1;
	v2 =	vmul.f32 v10, v6;
	v62 =	vld.idx.msk [tilespmem:v52+s18+$0x0], $0xffff  }
0xc4: {  	v5 =	vmul.f32 v56, v55;
	v4 =	vadd.f32 v4, v60  }
0xc5: {  	v1 =	vadd.f32 v2, v1;
	v2 =	vmul.f32 v11, v14  }
0xc6: {  	v3 =	vmul.f32 v3, v59;
	v4 =	vadd.f32 v5, v4  }
0xc7: {  	v1 =	vadd.f32 v2, v1;
	v2 =	vmul.f32 v12, v16  }
0xc8: {  	v63 =	vmul.f32 v62, v61;
	v3 =	vadd.f32 v3, v4  }
0xc9: {  	s0 =	sadd.s32 s4, s31;
	v1 =	vadd.f32 v2, v1  }
0xca: {  	s1 =	sadd.s32 $0x10, s1;
	s0 =	smul.u32 $0xC8, s0;
	v2 =	vadd.f32 v63, v3  }
0xcb: {  	[tilespmem:s1+$0x0] =	vst v1;
	s1 =	sadd.s32 $0x10, s1  }
0xcc: {  	s0 =	sadd.s32 s2, s0;
	[tilespmem:s1+$0x0] =	vst v2  }
0xcd: {  	[hbm4b:s0+s3] =	stream.linear.scatter [tilespmem:s21], [sflag:$0x5], $0x640, $0x38;
	[tilespmem:$0x1A900] =	vst v63  }
.LBB2_6:
0xce: {  	s1 =	sor.u32 $0x1, s31  }
0xcf: {  	p0 =	sge.u32 s1, s7  }
.Ltmp6:
0xd0: {  	_ = 	snop;
	(pc) =	sbr.rel @p0 .LBB2_10-.Ltmp6, $1  }
0xd1: {  	_ =	sdelay $0x3  }
0xd2: {  	_ =	swait.ge [sflag:s22], $0x6400  }
0xd3: {  	[sflag:s22] =	ssyncset.done $0x0  }
0xd4: {  	[sflag:s22] =	ssyncadd.s32 $0xFFFF9C00  }
0xd5: {  	_ =	swait.ge [sflag:s22], $0x6400  }
0xd6: {  	p0 =	sge.u32 s31, s12;
	[sflag:s22] =	ssyncset.done $0x0  }
0xd7: {  	s0 =	simm.s32 @!p0 $0x1;
	[sflag:s22] =	ssyncadd.s32 $0xFFFF9C00  }
0xd8: {  	s9 =	sadd.s32 @!p0 s4, s1;
	_ =	swait.ge @!p0 [sflag:s0], $0x640  }
0xd9: {  	s17 =	simm.s32 @!p0 $0x0;
	s10 =	simm.s32 @!p0 $0xC80;
	[sflag:s0] =	ssyncset.done @!p0 $0x0  }
0xda: {  	s9 =	smul.u32 @!p0 $0x640, s9;
	[sflag:s0] =	ssyncadd.s32 @!p0 $0xFFFFF9C0;
	s0 =	simm.s32 @!p0 $0x640  }
0xdb: {  	[tilespmem:s10], [sflag:$0x3] =	stream.indirect.gather @!p0 [hbm4b:s6+s0], $0x10, s17, s0, $0xb8;
	[tilespmem:$0x1A900] =	vst v63  }
0xdc: {  	p1 =	sge.u32 s31, s13;
	s0 =	smin.u32 @!p0 s9, $0x1E7800  }
0xdd: {  	s9 =	sadd.s32 @!p1 s4, s1;
	s0 =	sshll.u32 @!p0 s0, $0x1  }
0xde: {  	s10 =	simm.s32 @!p0 $0xD480;
	s9 =	smul.u32 @!p1 $0x640, s9;
	s0 =	sadd.s32 @!p0 s15, s0  }
0xdf: {  	[tilespmem:s10], [sflag:$0x3] =	stream.linear.gather @!p0 [hbm4b:s0+s17], $0x6400, $0x38;
	[tilespmem:$0x1A900] =	vst v63  }
0xe0: {  	s0 =	smin.u32 @!p1 s9, $0x1E71C0  }
0xe1: {  	s9 =	simm.s32 $0x0;
	s0 =	sshrl.u32 @!p1 s0, $0x3  }
0xe2: {  	s10 =	simm.s32 @!p1 $0x0;
	v1 =	vmov s9;
	s0 =	sadd.s32 @!p1 s5, s0  }
0xe3: {  	s17 =	simm.s32 @!p1 $0x640;
	p0 =	seq.s32 s30, $0x0;
	v1 =	vshll.u32 v1, $0x4;
	s0 =	sadd.s32 @!p1 $0x190, s0  }
0xe4: {  	v1 =	vor.u32 v0, v1;
	[tilespmem:s17], [sflag:$0x2] =	stream.linear.gather @!p1 [hbm4b:s0+s10], $0x640, $0x38;
	[tilespmem:$0x1A900] =	vst v63  }
0xe5: {  	s0 =	simm.s32 @!p0 $0x6  }
0xe6: {  	v2 =	vor.u32 $0x1, v1;
	_ =	swait.ge @!p0 [sflag:s0], $0x640  }
0xe7: {  	[sflag:s0] =	ssyncset.done @!p0 $0x0  }
0xe8: {  	v3 =	vor.u32 $0x2, v1;
	[sflag:s0] =	ssyncadd.s32 @!p0 $0xFFFFF9C0  }
0xe9: {  	v4 =	vld.idx.msk [tilespmem:v1+s23+$0x0], $0xffff  }
0xea: {  	v6 =	vor.u32 $0x3, v1;
	v5 =	vld.idx.msk [tilespmem:v1+s24+$0x0], $0xffff  }
0xeb: {  	v7 =	vld.idx.msk [tilespmem:v2+s23+$0x0], $0xffff  }
0xec: {  	v8 =	vor.u32 $0x4, v1;
	v2 =	vld.idx.msk [tilespmem:v2+s24+$0x0], $0xffff  }
0xed: {  	v9 =	vld.idx.msk [tilespmem:v3+s23+$0x0], $0xffff  }
0xee: {  	v10 =	vor.u32 $0x5, v1;
	v3 =	vld.idx.msk [tilespmem:v3+s24+$0x0], $0xffff  }
0xef: {  	v11 =	vld.idx.msk [tilespmem:v6+s23+$0x0], $0xffff  }
0xf0: {  	v12 =	vor.u32 $0x6, v1;
	v6 =	vld.idx.msk [tilespmem:v6+s24+$0x0], $0xffff  }
0xf1: {  	v13 =	vld.idx.msk [tilespmem:v8+s23+$0x0], $0xffff  }
0xf2: {  	v14 =	vor.u32 $0x7, v1;
	v8 =	vld.idx.msk [tilespmem:v8+s24+$0x0], $0xffff  }
0xf3: {  	v15 =	vld.idx.msk [tilespmem:v10+s23+$0x0], $0xffff  }
0xf4: {  	v16 =	vor.u32 $0x8, v1;
	v10 =	vld.idx.msk [tilespmem:v10+s24+$0x0], $0xffff  }
0xf5: {  	v17 =	vld.idx.msk [tilespmem:v12+s23+$0x0], $0xffff  }
0xf6: {  	v18 =	vor.u32 $0x9, v1;
	v12 =	vld.idx.msk [tilespmem:v12+s24+$0x0], $0xffff  }
0xf7: {  	v19 =	vld.idx.msk [tilespmem:v14+s23+$0x0], $0xffff  }
0xf8: {  	v20 =	vor.u32 $0xA, v1;
	v14 =	vld.idx.msk [tilespmem:v14+s24+$0x0], $0xffff  }
0xf9: {  	v21 =	vld.idx.msk [tilespmem:v16+s23+$0x0], $0xffff  }
0xfa: {  	v22 =	vor.u32 $0xB, v1;
	v16 =	vld.idx.msk [tilespmem:v16+s24+$0x0], $0xffff  }
0xfb: {  	v23 =	vld.idx.msk [tilespmem:v18+s23+$0x0], $0xffff  }
0xfc: {  	v26 =	vor.u32 $0xD, v1;
	v18 =	vld.idx.msk [tilespmem:v18+s24+$0x0], $0xffff  }
0xfd: {  	v28 =	vor.u32 $0xE, v1;
	v25 =	vld.idx.msk [tilespmem:v20+s23+$0x0], $0xffff  }
0xfe: {  	v24 =	vor.u32 $0xC, v1;
	v20 =	vld.idx.msk [tilespmem:v20+s24+$0x0], $0xffff  }
0xff: {  	v27 =	vld.idx.msk [tilespmem:v22+s23+$0x0], $0xffff  }
0x100: {  	s10 =	simm.s32 $0x10;
	v1 =	vor.u32 $0xF, v1;
	v22 =	vld.idx.msk [tilespmem:v22+s24+$0x0], $0xffff;
	v4 =	vmul.f32 v5, v4  }
0x101: {  	v29 =	vmov s10;
	v56 =	vld.idx.msk [tilespmem:v26+s23+$0x0], $0xffff  }
0x102: {  	v57 =	vld.idx.msk [tilespmem:v28+s24+$0x0], $0xffff;
	v2 =	vmul.f32 v2, v7;
	v7 =	vshll.u32 v29, $0x4;
	v4 =	vadd.f32 $0.0e+00, v4  }
0x103: {  	v5 =	vld.idx.msk [tilespmem:v24+s23+$0x0], $0xffff;
	v30 =	vor.u32 v0, v7  }
0x104: {  	v24 =	vld.idx.msk [tilespmem:v24+s24+$0x0], $0xffff;
	v3 =	vmul.f32 v3, v9;
	v2 =	vadd.f32 v2, v4  }
0x105: {  	v58 =	vld.idx.msk [tilespmem:v1+s24+$0x0], $0xffff;
	v9 =	vor.u32 $0x1, v30  }
0x106: {  	v7 =	vld.idx.msk [tilespmem:v26+s24+$0x0], $0xffff;
	v2 =	vadd.f32 v3, v2;
	v3 =	vmul.f32 v6, v11  }
0x107: {  	v6 =	vld.idx.msk [tilespmem:v1+s23+$0x0], $0xffff;
	v11 =	vor.u32 $0x2, v30  }
0x108: {  	v1 =	vadd.f32 v3, v2;
	v2 =	vmul.f32 v8, v13;
	v3 =	vld.idx.msk [tilespmem:v30+s23+$0x0], $0xffff  }
0x109: {  	v8 =	vld.idx.msk [tilespmem:v30+s24+$0x0], $0xffff;
	v13 =	vor.u32 $0x3, v30  }
0x10a: {  	v1 =	vadd.f32 v2, v1;
	v2 =	vmul.f32 v10, v15;
	v10 =	vld.idx.msk [tilespmem:v9+s23+$0x0], $0xffff  }
0x10b: {  	v9 =	vld.idx.msk [tilespmem:v9+s24+$0x0], $0xffff;
	v15 =	vor.u32 $0x4, v30  }
0x10c: {  	v1 =	vadd.f32 v2, v1;
	v2 =	vmul.f32 v12, v17;
	v12 =	vld.idx.msk [tilespmem:v11+s23+$0x0], $0xffff  }
0x10d: {  	v11 =	vld.idx.msk [tilespmem:v11+s24+$0x0], $0xffff  }
0x10e: {  	v59 =	vor.u32 $0x5, v30;
	v3 =	vmul.f32 v8, v3;
	v8 =	vld.idx.msk [tilespmem:v13+s24+$0x0], $0xffff  }
0x10f: {  	v1 =	vadd.f32 v2, v1;
	v2 =	vmul.f32 v14, v19;
	v14 =	vld.idx.msk [tilespmem:v13+s23+$0x0], $0xffff  }
0x110: {  	v13 =	vor.u32 $0x6, v30;
	v60 =	vld.idx.msk [tilespmem:v15+s23+$0x0], $0xffff;
	v3 =	vadd.f32 $0.0e+00, v3;
	v9 =	vmul.f32 v9, v10  }
0x111: {  	v10 =	vld.idx.msk [tilespmem:v15+s24+$0x0], $0xffff;
	v1 =	vadd.f32 v2, v1;
	v2 =	vmul.f32 v16, v21  }
0x112: {  	v4 =	vld.idx.msk [tilespmem:v28+s23+$0x0], $0xffff;
	v15 =	vor.u32 $0x7, v30;
	v3 =	vadd.f32 v9, v3;
	v9 =	vmul.f32 v11, v12  }
0x113: {  	v61 =	vld.idx.msk [tilespmem:v59+s23+$0x0], $0xffff;
	v1 =	vadd.f32 v2, v1;
	v2 =	vmul.f32 v18, v23  }
0x114: {  	v11 =	vld.idx.msk [tilespmem:v59+s24+$0x0], $0xffff;
	v12 =	vor.u32 $0x8, v30;
	v3 =	vadd.f32 v9, v3;
	v8 =	vmul.f32 v8, v14  }
0x115: {  	v62 =	vld.idx.msk [tilespmem:v13+s23+$0x0], $0xffff;
	v1 =	vadd.f32 v2, v1;
	v2 =	vmul.f32 v20, v25  }
0x116: {  	v9 =	vld.idx.msk [tilespmem:v13+s24+$0x0], $0xffff;
	v13 =	vor.u32 $0x9, v30;
	v3 =	vadd.f32 v8, v3;
	v8 =	vmul.f32 v10, v60  }
0x117: {  	v14 =	vld.idx.msk [tilespmem:v15+s23+$0x0], $0xffff;
	v1 =	vadd.f32 v2, v1;
	v2 =	vmul.f32 v22, v27  }
0x118: {  	v10 =	vld.idx.msk [tilespmem:v15+s24+$0x0], $0xffff;
	v15 =	vor.u32 $0xA, v30;
	v3 =	vadd.f32 v8, v3  }
0x119: {  	v8 =	vmul.f32 v11, v61;
	v11 =	vld.idx.msk [tilespmem:v12+s24+$0x0], $0xffff;
	v1 =	vadd.f32 v2, v1;
	v2 =	vmul.f32 v24, v5  }
0x11a: {  	v5 =	vld.idx.msk [tilespmem:v12+s23+$0x0], $0xffff;
	v12 =	vor.u32 $0xB, v30  }
0x11b: {  	v63 =	vld.idx.msk [tilespmem:v13+s23+$0x0], $0xffff;
	v1 =	vadd.f32 v2, v1;
	v2 =	vmul.f32 v7, v56  }
0x11c: {  	v3 =	vadd.f32 v8, v3;
	v7 =	vmul.f32 v9, v62;
	v9 =	vld.idx.msk [tilespmem:v13+s24+$0x0], $0xffff;
	v13 =	vor.u32 $0xC, v30  }
0x11d: {  	v8 =	vmul.f32 v57, v4;
	v4 =	vld.idx.msk [tilespmem:v15+s24+$0x0], $0xffff;
	v2 =	vadd.f32 v2, v1  }
0x11e: {  	v1 =	vld.idx.msk [tilespmem:v15+s23+$0x0], $0xffff;
	v3 =	vadd.f32 v7, v3;
	v7 =	vmul.f32 v10, v14;
	v10 =	vor.u32 $0xD, v30  }
0x11f: {  	v6 =	vmul.f32 v58, v6;
	v14 =	vmul.f32 v11, v5;
	v5 =	vld.idx.msk [tilespmem:v12+s24+$0x0], $0xffff;
	v8 =	vadd.f32 v8, v2  }
0x120: {  	v11 =	vor.u32 $0xE, v30;
	v2 =	vld.idx.msk [tilespmem:v12+s23+$0x0], $0xffff;
	v7 =	vadd.f32 v7, v3  }
0x121: {  	s17 =	simm.s32 $0x20;
	v12 =	vor.u32 $0xF, v30;
	v3 =	vld.idx.msk [tilespmem:v13+s23+$0x0], $0xffff;
	v6 =	vadd.f32 v6, v8  }
0x122: {  	s31 =	simm.s32 $0x1A2C0;
	v9 =	vmul.f32 v9, v63;
	v8 =	vadd.f32 v14, v7;
	v14 =	vmov s17;
	v7 =	vld.idx.msk [tilespmem:v13+s24+$0x0], $0xffff  }
0x123: {  	s0 =	simm.s32 $0x30;
	v13 =	vshll.u32 v14, $0x4;
	[tilespmem:s31+$0x0] =	vst v6;
	v6 =	vld.idx.msk [tilespmem:v10+s23+$0x0], $0xffff  }
.LBB2_8:
0x124: {  	p0 =	sne.s32 s0, $0x630;
	v13 =	vor.u32 v0, v13;
	v8 =	vadd.f32 v9, v8;
	v1 =	vmul.f32 v4, v1;
	v4 =	vld.idx.msk [tilespmem:v10+s24+$0x0], $0xffff  }
0x125: {  	v9 =	vld.idx.msk [tilespmem:v11+s23+$0x0], $0xffff  }
0x126: {  	v10 =	vor.u32 $0x1, v13;
	v2 =	vmul.f32 v5, v2;
	v1 =	vadd.f32 v1, v8;
	v5 =	vld.idx.msk [tilespmem:v11+s24+$0x0], $0xffff  }
0x127: {  	v8 =	vld.idx.msk [tilespmem:v12+s23+$0x0], $0xffff  }
0x128: {  	v11 =	vor.u32 $0x2, v13;
	v1 =	vadd.f32 v2, v1;
	v2 =	vmul.f32 v7, v3;
	v3 =	vld.idx.msk [tilespmem:v12+s24+$0x0], $0xffff  }
0x129: {  	v7 =	vld.idx.msk [tilespmem:v13+s23+$0x0], $0xffff  }
0x12a: {  	v14 =	vor.u32 $0x3, v13;
	v12 =	vld.idx.msk [tilespmem:v13+s24+$0x0], $0xffff;
	v1 =	vadd.f32 v2, v1;
	v2 =	vmul.f32 v4, v6  }
0x12b: {  	v4 =	vld.idx.msk [tilespmem:v10+s23+$0x0], $0xffff  }
0x12c: {  	v6 =	vld.idx.msk [tilespmem:v10+s24+$0x0], $0xffff;
	v10 =	vor.u32 $0x4, v13;
	v1 =	vadd.f32 v2, v1;
	v2 =	vmul.f32 v5, v9  }
0x12d: {  	v5 =	vld.idx.msk [tilespmem:v11+s23+$0x0], $0xffff  }
0x12e: {  	v9 =	vld.idx.msk [tilespmem:v11+s24+$0x0], $0xffff;
	v11 =	vor.u32 $0x5, v13;
	v1 =	vadd.f32 v2, v1;
	v2 =	vmul.f32 v3, v8  }
0x12f: {  	v3 =	vld.idx.msk [tilespmem:v14+s23+$0x0], $0xffff  }
0x130: {  	v7 =	vmul.f32 v12, v7;
	v12 =	vor.u32 $0x6, v13;
	v8 =	vld.idx.msk [tilespmem:v14+s24+$0x0], $0xffff;
	v1 =	vadd.f32 v2, v1  }
0x131: {  	s31 =	sadd.s32 $0x10, s31;
	v2 =	vld.idx.msk [tilespmem:v10+s23+$0x0], $0xffff  }
0x132: {  	v7 =	vadd.f32 $0.0e+00, v7;
	v4 =	vmul.f32 v6, v4;
	v6 =	vld.idx.msk [tilespmem:v10+s24+$0x0], $0xffff;
	v10 =	vor.u32 $0x7, v13;
	[tilespmem:s31+$0x0] =	vst v1  }
0x133: {  	v1 =	vld.idx.msk [tilespmem:v11+s23+$0x0], $0xffff  }
0x134: {  	v4 =	vadd.f32 v4, v7;
	v5 =	vmul.f32 v9, v5;
	v9 =	vor.u32 $0x8, v13;
	v7 =	vld.idx.msk [tilespmem:v11+s24+$0x0], $0xffff  }
0x135: {  	v11 =	vld.idx.msk [tilespmem:v12+s23+$0x0], $0xffff  }
0x136: {  	v4 =	vadd.f32 v5, v4;
	v3 =	vmul.f32 v8, v3;
	v8 =	vor.u32 $0x9, v13;
	v5 =	vld.idx.msk [tilespmem:v12+s24+$0x0], $0xffff  }
0x137: {  	v12 =	vld.idx.msk [tilespmem:v10+s23+$0x0], $0xffff  }
0x138: {  	v3 =	vadd.f32 v3, v4;
	v2 =	vmul.f32 v6, v2;
	v6 =	vor.u32 $0xA, v13;
	v4 =	vld.idx.msk [tilespmem:v10+s24+$0x0], $0xffff  }
0x139: {  	v14 =	vld.idx.msk [tilespmem:v9+s23+$0x0], $0xffff  }
0x13a: {  	v2 =	vadd.f32 v2, v3;
	v1 =	vmul.f32 v7, v1;
	v7 =	vor.u32 $0xB, v13;
	v3 =	vld.idx.msk [tilespmem:v9+s24+$0x0], $0xffff  }
0x13b: {  	v9 =	vld.idx.msk [tilespmem:v8+s23+$0x0], $0xffff  }
0x13c: {  	v16 =	vor.u32 $0xC, v13;
	v2 =	vadd.f32 v1, v2;
	v5 =	vmul.f32 v5, v11;
	v15 =	vld.idx.msk [tilespmem:v8+s24+$0x0], $0xffff  }
0x13d: {  	v1 =	vld.idx.msk [tilespmem:v6+s23+$0x0], $0xffff  }
0x13e: {  	v10 =	vor.u32 $0xD, v13;
	v5 =	vadd.f32 v5, v2;
	v8 =	vmul.f32 v4, v12;
	v4 =	vld.idx.msk [tilespmem:v6+s24+$0x0], $0xffff  }
.Ltmp7:
0x13f: {  	v2 =	vld.idx.msk [tilespmem:v7+s23+$0x0], $0xffff;
	(pc) =	sbr.rel @p0 .LBB2_8-.Ltmp7, $4  }
0x140: {  	v11 =	vor.u32 $0xE, v13;
	v6 =	vadd.f32 v8, v5;
	v8 =	vmul.f32 v3, v14;
	v5 =	vld.idx.msk [tilespmem:v7+s24+$0x0], $0xffff  }
0x141: {  	v14 =	vmov s0;
	v3 =	vld.idx.msk [tilespmem:v16+s23+$0x0], $0xffff  }
0x142: {  	v12 =	vor.u32 $0xF, v13;
	v8 =	vadd.f32 v8, v6;
	v9 =	vmul.f32 v15, v9;
	v7 =	vld.idx.msk [tilespmem:v16+s24+$0x0], $0xffff  }
0x143: {  	s0 =	sadd.s32 $0x10, s0;
	v13 =	vshll.u32 v14, $0x4;
	v6 =	vld.idx.msk [tilespmem:v10+s23+$0x0], $0xffff  }
0x144: {  	_ =	sdelay $0x3  }
0x145: {  	v13 =	vor.u32 v0, v13;
	v10 =	vld.idx.msk [tilespmem:v10+s24+$0x0], $0xffff  }
0x146: {  	v14 =	vld.idx.msk [tilespmem:v11+s23+$0x0], $0xffff  }
0x147: {  	v11 =	vld.idx.msk [tilespmem:v11+s24+$0x0], $0xffff;
	v15 =	vor.u32 $0x1, v13  }
0x148: {  	v16 =	vld.idx.msk [tilespmem:v12+s23+$0x0], $0xffff  }
0x149: {  	v12 =	vld.idx.msk [tilespmem:v12+s24+$0x0], $0xffff;
	v17 =	vor.u32 $0x2, v13  }
0x14a: {  	v18 =	vld.idx.msk [tilespmem:v13+s23+$0x0], $0xffff  }
0x14b: {  	v20 =	vor.u32 $0x3, v13;
	v19 =	vld.idx.msk [tilespmem:v13+s24+$0x0], $0xffff  }
0x14c: {  	v21 =	vld.idx.msk [tilespmem:v15+s23+$0x0], $0xffff  }
0x14d: {  	v22 =	vor.u32 $0x4, v13;
	v15 =	vld.idx.msk [tilespmem:v15+s24+$0x0], $0xffff  }
0x14e: {  	v23 =	vld.idx.msk [tilespmem:v17+s23+$0x0], $0xffff  }
0x14f: {  	v24 =	vor.u32 $0x5, v13;
	v17 =	vld.idx.msk [tilespmem:v17+s24+$0x0], $0xffff  }
0x150: {  	v25 =	vld.idx.msk [tilespmem:v20+s23+$0x0], $0xffff;
	v18 =	vmul.f32 v19, v18  }
0x151: {  	v28 =	vor.u32 $0x6, v13;
	v63 =	vld.idx.msk [tilespmem:v20+s24+$0x0], $0xffff  }
0x152: {  	v26 =	vld.idx.msk [tilespmem:v22+s23+$0x0], $0xffff;
	v15 =	vmul.f32 v15, v21;
	v18 =	vadd.f32 $0.0e+00, v18  }
0x153: {  	v30 =	vor.u32 $0x7, v13;
	v29 =	vld.idx.msk [tilespmem:v22+s24+$0x0], $0xffff  }
0x154: {  	v31 =	vld.idx.msk [tilespmem:v24+s23+$0x0], $0xffff;
	v17 =	vmul.f32 v17, v23;
	v15 =	vadd.f32 v15, v18  }
0x155: {  	v33 =	vor.u32 $0x8, v13;
	v32 =	vld.idx.msk [tilespmem:v24+s24+$0x0], $0xffff  }
0x156: {  	v34 =	vld.idx.msk [tilespmem:v28+s23+$0x0], $0xffff;
	v19 =	vmul.f32 v63, v25;
	v15 =	vadd.f32 v17, v15  }
0x157: {  	v35 =	vor.u32 $0x9, v13;
	v20 =	vld.idx.msk [tilespmem:v28+s24+$0x0], $0xffff  }
0x158: {  	v36 =	vld.idx.msk [tilespmem:v30+s23+$0x0], $0xffff;
	v21 =	vmul.f32 v29, v26;
	v15 =	vadd.f32 v19, v15  }
0x159: {  	v37 =	vor.u32 $0xA, v13;
	v22 =	vld.idx.msk [tilespmem:v30+s24+$0x0], $0xffff  }
0x15a: {  	v38 =	vld.idx.msk [tilespmem:v33+s23+$0x0], $0xffff;
	v18 =	vmul.f32 v32, v31;
	v15 =	vadd.f32 v21, v15  }
0x15b: {  	v40 =	vor.u32 $0xB, v13;
	v39 =	vld.idx.msk [tilespmem:v33+s24+$0x0], $0xffff  }
0x15c: {  	v41 =	vld.idx.msk [tilespmem:v35+s23+$0x0], $0xffff;
	v17 =	vmul.f32 v20, v34;
	v15 =	vadd.f32 v18, v15  }
0x15d: {  	v43 =	vor.u32 $0xC, v13;
	v42 =	vld.idx.msk [tilespmem:v35+s24+$0x0], $0xffff  }
0x15e: {  	v44 =	vld.idx.msk [tilespmem:v37+s23+$0x0], $0xffff;
	v19 =	vmul.f32 v22, v36;
	v15 =	vadd.f32 v17, v15  }
0x15f: {  	v46 =	vor.u32 $0xD, v13;
	v45 =	vld.idx.msk [tilespmem:v37+s24+$0x0], $0xffff  }
0x160: {  	v47 =	vld.idx.msk [tilespmem:v40+s23+$0x0], $0xffff;
	v21 =	vmul.f32 v39, v38;
	v15 =	vadd.f32 v19, v15  }
0x161: {  	v49 =	vor.u32 $0xE, v13;
	v48 =	vld.idx.msk [tilespmem:v40+s24+$0x0], $0xffff  }
0x162: {  	v50 =	vld.idx.msk [tilespmem:v43+s23+$0x0], $0xffff;
	v18 =	vmul.f32 v42, v41;
	v15 =	vadd.f32 v21, v15  }
0x163: {  	v8 =	vadd.f32 v9, v8;
	v1 =	vmul.f32 v4, v1;
	v52 =	vor.u32 $0xF, v13;
	v51 =	vld.idx.msk [tilespmem:v43+s24+$0x0], $0xffff  }
0x164: {  	v55 =	vld.idx.msk [tilespmem:v46+s23+$0x0], $0xffff;
	v54 =	vmul.f32 v45, v44;
	v53 =	vadd.f32 v18, v15  }
0x165: {  	v2 =	vmul.f32 v5, v2;
	v1 =	vadd.f32 v1, v8;
	v56 =	vld.idx.msk [tilespmem:v46+s24+$0x0], $0xffff  }
0x166: {  	v59 =	vld.idx.msk [tilespmem:v49+s23+$0x0], $0xffff;
	v58 =	vmul.f32 v48, v47;
	v57 =	vadd.f32 v54, v53  }
0x167: {  	v1 =	vadd.f32 v2, v1;
	v2 =	vmul.f32 v7, v3;
	v3 =	vld.idx.msk [tilespmem:v49+s24+$0x0], $0xffff  }
0x168: {  	v61 =	vld.idx.msk [tilespmem:v52+s23+$0x0], $0xffff;
	v4 =	vmul.f32 v51, v50;
	v60 =	vadd.f32 v58, v57  }
0x169: {  	v1 =	vadd.f32 v2, v1;
	v2 =	vmul.f32 v10, v6;
	v62 =	vld.idx.msk [tilespmem:v52+s24+$0x0], $0xffff  }
0x16a: {  	v5 =	vmul.f32 v56, v55;
	v4 =	vadd.f32 v4, v60  }
0x16b: {  	v1 =	vadd.f32 v2, v1;
	v2 =	vmul.f32 v11, v14  }
0x16c: {  	v3 =	vmul.f32 v3, v59;
	v4 =	vadd.f32 v5, v4  }
0x16d: {  	s0 =	sadd.s32 s4, s1;
	v1 =	vadd.f32 v2, v1;
	v2 =	vmul.f32 v12, v16  }
0x16e: {  	s0 =	smul.u32 $0x640, s0;
	v63 =	vmul.f32 v62, v61;
	v3 =	vadd.f32 v3, v4  }
.Ltmp8:
0x16f: {  	v1 =	vadd.f32 v2, v1;
	(pc) =	sbr.rel .LBB2_10-.Ltmp8, $4  }
0x170: {  	s31 =	sadd.s32 $0x10, s31;
	s0 =	smin.u32 s0, $0x1E7E40;
	v2 =	vadd.f32 v63, v3  }
0x171: {  	s1 =	sadd.s32 $0x10, s31;
	s0 =	sshrl.u32 s0, $0x3;
	[tilespmem:s31+$0x0] =	vst v1  }
0x172: {  	s0 =	sadd.s32 s2, s0;
	[tilespmem:s1+$0x0] =	vst v2  }
0x173: {  	[hbm4b:s0+s3] =	stream.linear.scatter [tilespmem:s25], [sflag:$0x6], $0x640, $0x38;
	[tilespmem:$0x1A900] =	vst v63  }
.LBB2_12:
0x174: {  	_ =	sfence.sel $0x180000  }
0x175: {  	[bflag:$0x0] =	sbarrier.arrive $0xFFFF  }
0x176: {  	_ =	strace $0x9000004A  }
0x177: {  	s0 =	stileid.u32;
	[bflag:$0x2] =	sbarrier.arrive $0xFFFF  }
0x178: {  	p0 =	sne.s32 s0, $0x0;
	s0 =	rddreg [dreg:$0x2]  }
0x179: {  	s0 =	sadd.s32 @!p0 $0x100000, s0  }
0x17a: {  	[sflag:s0] =	ssyncadd.tile.s32 @!p0 $0x1;
	_ =	shalt  }
.Lfunc_end2:
_tile_overlayer_lowered:
.L_overlay_start_2:
0x17b: {  	(tag) =	ssettag $0x2  }
0x17c: {  	s0 =	rddreg [dreg:$0x0];
	s2 =	stileid.u32  }
0x17d: {  	s1 =	rddreg [dreg:$0x1];
	p0 =	sne.s32 s2, $0x0  }
0x17e: {  	s3 =	rddreg [dreg:$0x2];
	[bflag:$0x3] =	sbarrier.arrive $0xFFFF;
	s2 =	simm.s32 @!p0 $0x1C07  }
0x17f: {  	[timem:s3], [sflag:s2] =	dma.local @!p0 [hbm:s0], s1  }
0x180: {  	s0 =	simm.s32 @!p0 $0x7  }
0x181: {  	_ =	swait.ge @!p0 [sflag:s0], s1  }
0x182: {  	s1 =	ssub.s32 @!p0 $0x0, s1;
	[sflag:s0] =	ssyncset.done @!p0 $0x0  }
0x183: {  	[sflag:s0] =	ssyncadd.s32 @!p0 s1  }
0x184: {  	[bflag:$0x3] =	sbarrier.arrive $0xFFFF  }
0x185: {  	_ =	shalt  }

</sc_bundles>
